<compile_context>
chip_gen: v7x
topology: tpu7x:2x2x1
jax: 0.10.2.dev20260603
libtpu: 0.0.44.dev20260713+nightly
codegen_flags: <defaults>
</compile_context>

<pallas_src>
import functools

import jax
import jax.numpy as jnp
from jax import lax
from jax.experimental import pallas as pl
from jax.experimental.pallas import tpu as pltpu
from jax.experimental.pallas import tpu_sc as plsc

_F32 = jnp.float32
_I32 = jnp.int32
_EPS = 1e-9
_C0 = 40
_C1 = 128



def _tc1(x, wt, wr, wd, bn):
    n = x.shape[0]
    nb = n // bn

    def body(x_ref, wt_ref, wr_ref, wd_ref, ts_ref, erb_ref, td_ref):
        xb = x_ref[...]
        ts_ref[...] = jnp.dot(xb, wt_ref[0], preferred_element_type=_F32)
        erb_ref[...] = jnp.dot(xb, wr_ref[0], preferred_element_type=_F32)
        td = jnp.dot(xb, wd_ref[0], preferred_element_type=_F32)
        td_ref[...] = jnp.concatenate(
            [td, jnp.zeros((td.shape[0], 112), _F32)], axis=1)

    return pl.pallas_call(
        body,
        grid=(nb, 2),
        in_specs=[
            pl.BlockSpec((bn, 128), lambda i, c: (i, 0)),
            pl.BlockSpec((1, 128, 256), lambda i, c: (c, 0, 0)),
            pl.BlockSpec((1, 128, 128), lambda i, c: (c, 0, 0)),
            pl.BlockSpec((1, 128, 16), lambda i, c: (c, 0, 0)),
        ],
        out_specs=[
            pl.BlockSpec((bn, 256), lambda i, c: (c * nb + i, 0)),
            pl.BlockSpec((bn, 128), lambda i, c: (c * nb + i, 0)),
            pl.BlockSpec((bn, 128), lambda i, c: (c * nb + i, 0)),
        ],
        out_shape=[
            jax.ShapeDtypeStruct((2 * n, 256), _F32),
            jax.ShapeDtypeStruct((2 * n, 128), _F32),
            jax.ShapeDtypeStruct((2 * n, 128), _F32),
        ],
    )(x, wt, wr, wd)


def _tc2(num0, den0, b0r, wcat, bn):
    n2 = num0.shape[0]
    n = n2 // 2
    nb = n // bn

    def body(na_ref, nb_ref, da_ref, db_ref, b0_ref, wc_ref,
             t1_ref, rs_ref, er_ref):
        den = da_ref[...] + db_ref[...]

        def half(nblk, h0):
            cols = []
            for h in range(4):
                seg = nblk[:, 32 * h:32 * h + 32] / (
                    den[:, h0 + h:h0 + h + 1] + _EPS)
                cols.append(seg)
            return jnp.concatenate(cols, axis=1)

        ha = half(na_ref[...], 0)
        hb = half(nb_ref[...], 4)
        h1 = jnp.maximum(
            jnp.concatenate([ha, hb], axis=1) + b0_ref[...], 0.0)
        p = jnp.dot(h1, wc_ref[...], preferred_element_type=_F32)
        z64 = jnp.zeros((p.shape[0], 64), _F32)
        t1_ref[...] = jnp.concatenate([p[:, 0:64], z64], axis=1)
        rs_ref[...] = p[:, 64:96]
        er_ref[...] = jnp.concatenate(
            [p[:, 96:128], z64, jnp.zeros((p.shape[0], 32), _F32)], axis=1)

    return pl.pallas_call(
        body,
        grid=(nb,),
        in_specs=[
            pl.BlockSpec((bn, 128), lambda i: (i, 0)),
            pl.BlockSpec((bn, 128), lambda i: (i + nb, 0)),
            pl.BlockSpec((bn, 128), lambda i: (i, 0)),
            pl.BlockSpec((bn, 128), lambda i: (i + nb, 0)),
            pl.BlockSpec((1, 256), lambda i: (0, 0)),
            pl.BlockSpec((256, 128), lambda i: (0, 0)),
        ],
        out_specs=[
            pl.BlockSpec((bn, 128), lambda i: (i, 0)),
            pl.BlockSpec((bn, 32), lambda i: (i, 0)),
            pl.BlockSpec((bn, 128), lambda i: (i, 0)),
        ],
        out_shape=[
            jax.ShapeDtypeStruct((n, 128), _F32),
            jax.ShapeDtypeStruct((n, 32), _F32),
            jax.ShapeDtypeStruct((n, 128), _F32),
        ],
    )(num0, num0, den0, den0, b0r, wcat)


def _tc3(num1, res1, b1r, bn):
    n = res1.shape[0]
    nb = n // bn

    def body(na_ref, nb_ref, rs_ref, b1_ref, o_ref):
        tot = na_ref[...] + nb_ref[...]
        o_ref[...] = (tot[:, 0:32] / (tot[:, 32:64] + _EPS)
                      + rs_ref[...] + b1_ref[...])

    return pl.pallas_call(
        body,
        grid=(nb,),
        in_specs=[
            pl.BlockSpec((bn, 128), lambda i: (i, 0)),
            pl.BlockSpec((bn, 128), lambda i: (i + nb, 0)),
            pl.BlockSpec((bn, 32), lambda i: (i, 0)),
            pl.BlockSpec((1, 32), lambda i: (0, 0)),
        ],
        out_specs=pl.BlockSpec((bn, 32), lambda i: (i, 0)),
        out_shape=jax.ShapeDtypeStruct((n, 32), _F32),
    )(num1, num1, res1, b1r)



def _sc_edge_l0(src, dst, src2, dst2, tsrc, erbt, z128, n_nodes):
    e_total = src.shape[0]
    per_tile = e_total // 16
    n_full = per_tile // _C0
    mesh = plsc.VectorSubcoreMesh(core_axis_name="c", subcore_axis_name="s")

    @functools.partial(
        pl.kernel,
        out_type=jax.ShapeDtypeStruct((2 * n_nodes, 128), _F32),
        mesh=mesh,
        scratch_types=[
            pltpu.VMEM((_C0,), _I32),
            pltpu.VMEM((_C0,), _I32),
            pltpu.VMEM((_C0,), _I32),
            pltpu.VMEM((_C0, 256), _F32),
            pltpu.VMEM((_C0, 128), _F32),
            pltpu.VMEM((_C0, 128), _F32),
            pltpu.VMEM_SHARED((n_nodes, 128), _F32),
            pltpu.SemaphoreType.DMA,
        ],
    )
    def k(src_h, dst_h, src2_h, dst2_h, ts_h, erb_h, z128_h,
          num_h,
          srco, dsto, dstr, tsbuf, erbuf, msgbuf,
          acc_sh, sem):
        cid = lax.axis_index("c")
        sid = lax.axis_index("s")
        coff = cid * e_total

        @pl.when(sid == 0)
        def _():
            pltpu.sync_copy(z128_h, acc_sh)
        plsc.subcore_barrier()

        ebase = sid * per_tile

        def do_chunk(base):
            pltpu.sync_copy(src2_h.at[pl.ds(coff + base, _C0)], srco)
            pltpu.sync_copy(dst2_h.at[pl.ds(coff + base, _C0)], dsto)
            pltpu.sync_copy(dst_h.at[pl.ds(base, _C0)], dstr)
            pltpu.async_copy(ts_h.at[srco], tsbuf, sem).wait()
            pltpu.async_copy(erb_h.at[dsto], erbuf, sem).wait()

            def edge(e, _):
                for j in range(8):
                    sl = pl.ds(j * 16, 16)
                    z = tsbuf[e, pl.ds(128 + j * 16, 16)] + erbuf[e, sl]
                    w = jnp.exp(jnp.maximum(z, 0.2 * z))
                    msgbuf[e, sl] = tsbuf[e, sl] * w
                return 0
            lax.fori_loop(0, _C0, edge, 0)
            pltpu.sync_copy(msgbuf, acc_sh.at[dstr], add=True)

        def chunk(kk, _):
            do_chunk(ebase + kk * _C0)
            return 0
        lax.fori_loop(0, n_full, chunk, 0)

        plsc.subcore_barrier()

        @pl.when(sid == 0)
        def _():
            pltpu.sync_copy(acc_sh, num_h.at[pl.ds(cid * n_nodes, n_nodes)])

    return k(src, dst, src2, dst2, tsrc, erbt, z128)


def _sc_den_l0(src, dst, dst2, td, z128, n_nodes):
    e_total = src.shape[0]
    per_core = e_total // 2
    per_tile = per_core // 16
    n_full = per_tile // _C0
    mesh = plsc.VectorSubcoreMesh(core_axis_name="c", subcore_axis_name="s")

    @functools.partial(
        pl.kernel,
        out_type=jax.ShapeDtypeStruct((2 * n_nodes, 128), _F32),
        mesh=mesh,
        scratch_types=[
            pltpu.VMEM((_C0,), _I32),
            pltpu.VMEM((_C0,), _I32),
            pltpu.VMEM((_C0,), _I32),
            pltpu.VMEM((_C0, 128), _F32),
            pltpu.VMEM((_C0, 128), _F32),
            pltpu.VMEM((_C0, 128), _F32),
            pltpu.VMEM_SHARED((n_nodes, 128), _F32),
            pltpu.SemaphoreType.DMA,
        ],
    )
    def k(src_h, dst_h, dst2_h, td_h, z128_h,
          den_h,
          srcr, dstn, dstr, elc, erc, wc,
          acc_sh, sem):
        cid = lax.axis_index("c")
        sid = lax.axis_index("s")

        @pl.when(sid == 0)
        def _():
            pltpu.sync_copy(z128_h, acc_sh)

        def zrow(e, _):
            for j in range(1, 8):
                wc[e, pl.ds(j * 16, 16)] = jnp.zeros((16,), _F32)
            return 0
        lax.fori_loop(0, _C0, zrow, 0)
        plsc.subcore_barrier()

        ebase = cid * per_core + sid * per_tile

        def do_chunk(base):
            pltpu.sync_copy(src_h.at[pl.ds(base, _C0)], srcr)
            pltpu.sync_copy(dst2_h.at[pl.ds(e_total + base, _C0)], dstn)
            pltpu.sync_copy(dst_h.at[pl.ds(base, _C0)], dstr)
            pltpu.async_copy(td_h.at[srcr], elc, sem).wait()
            pltpu.async_copy(td_h.at[dstn], erc, sem).wait()

            def dedge(e, _):
                zd = elc[e, pl.ds(0, 16)] + erc[e, pl.ds(0, 16)]
                wc[e, pl.ds(0, 16)] = jnp.exp(jnp.maximum(zd, 0.2 * zd))
                return 0
            lax.fori_loop(0, _C0, dedge, 0)
            pltpu.sync_copy(wc, acc_sh.at[dstr], add=True)

        def chunk(kk, _):
            do_chunk(ebase + kk * _C0)
            return 0
        lax.fori_loop(0, n_full, chunk, 0)

        plsc.subcore_barrier()

        @pl.when(sid == 0)
        def _():
            pltpu.sync_copy(acc_sh, den_h.at[pl.ds(cid * n_nodes, n_nodes)])

    return k(src, dst, dst2, td, z128)


def _sc_edge_l1(src, dst, t1, er1, z128, n_nodes):
    e_total = src.shape[0]
    per_core = e_total // 2
    per_tile = per_core // 16
    n_full = per_tile // _C1
    tail = per_tile - n_full * _C1
    mesh = plsc.VectorSubcoreMesh(core_axis_name="c", subcore_axis_name="s")

    @functools.partial(
        pl.kernel,
        out_type=jax.ShapeDtypeStruct((2 * n_nodes, 128), _F32),
        mesh=mesh,
        scratch_types=[
            pltpu.VMEM((_C1,), _I32),
            pltpu.VMEM((_C1,), _I32),
            pltpu.VMEM((tail,), _I32),
            pltpu.VMEM((tail,), _I32),
            pltpu.VMEM((_C1, 128), _F32),
            pltpu.VMEM((_C1, 128), _F32),
            pltpu.VMEM((_C1, 128), _F32),
            pltpu.VMEM_SHARED((n_nodes, 128), _F32),
            pltpu.SemaphoreType.DMA,
        ],
    )
    def k(src_h, dst_h, t1_h, er1_h, z128_h, num_h,
          srcv, dstv, srcv_t, dstv_t, t1buf, er1buf, msgbuf, acc_sh, sem):
        cid = lax.axis_index("c")
        sid = lax.axis_index("s")

        @pl.when(sid == 0)
        def _():
            pltpu.sync_copy(z128_h, acc_sh)

        def zrow(e, _):
            for j in range(4, 8):
                msgbuf[e, pl.ds(j * 16, 16)] = jnp.zeros((16,), _F32)
            return 0
        lax.fori_loop(0, _C1, zrow, 0)
        plsc.subcore_barrier()

        ebase = cid * per_core + sid * per_tile

        def do_chunk(base, sv, dv, cc):
            pltpu.sync_copy(src_h.at[pl.ds(base, cc)], sv)
            pltpu.sync_copy(dst_h.at[pl.ds(base, cc)], dv)
            pltpu.async_copy(t1_h.at[sv], t1buf.at[pl.ds(0, cc)], sem).wait()
            pltpu.async_copy(er1_h.at[dv], er1buf.at[pl.ds(0, cc)],
                             sem).wait()

            def edge(e, _):
                for j in range(2):
                    sl = pl.ds(j * 16, 16)
                    z = t1buf[e, pl.ds(32 + j * 16, 16)] + er1buf[e, sl]
                    w = jnp.exp(jnp.maximum(z, 0.2 * z))
                    msgbuf[e, sl] = t1buf[e, sl] * w
                    msgbuf[e, pl.ds(32 + j * 16, 16)] = w
                return 0
            lax.fori_loop(0, cc, edge, 0)
            pltpu.sync_copy(msgbuf.at[pl.ds(0, cc)], acc_sh.at[dv], add=True)

        def chunk(kk, _):
            do_chunk(ebase + kk * _C1, srcv, dstv, _C1)
            return 0
        lax.fori_loop(0, n_full, chunk, 0)
        if tail:
            do_chunk(ebase + n_full * _C1, srcv_t, dstv_t, tail)

        plsc.subcore_barrier()

        @pl.when(sid == 0)
        def _():
            pltpu.sync_copy(acc_sh, num_h.at[pl.ds(cid * n_nodes, n_nodes)])

    return k(src, dst, t1, er1, z128)



def kernel(x, edge_index, W0, attn_l0, attn_r0, b0,
           W1, attn_l1, attn_r1, res_W1, b1):
    n = x.shape[0]
    src = edge_index[0]
    dst = edge_index[1]

    w0r = W0.reshape(128, 8, 32)
    alw8 = jnp.einsum("khj,hj->kh", w0r, attn_l0)
    arw8 = jnp.einsum("khj,hj->kh", w0r, attn_r0)
    alw_exp = jnp.repeat(alw8, 32, axis=1)
    arw_exp = jnp.repeat(arw8, 32, axis=1)
    z8 = jnp.zeros((128, 8), _F32)
    wt = jnp.stack([
        jnp.concatenate([W0[:, 0:128], alw_exp[:, 0:128]], axis=1),
        jnp.concatenate([W0[:, 128:256], alw_exp[:, 128:256]], axis=1),
    ])
    wr = jnp.stack([arw_exp[:, 0:128], arw_exp[:, 128:256]])
    wd = jnp.stack([
        jnp.concatenate([alw8, z8], axis=1),
        jnp.concatenate([arw8, z8], axis=1),
    ])

    w1r = W1.reshape(256, 1, 32)
    a1l = jnp.einsum("khj,hj->kh", w1r, attn_l1)
    a1r = jnp.einsum("khj,hj->kh", w1r, attn_r1)
    wcat = jnp.concatenate(
        [W1, jnp.tile(a1l, (1, 32)), res_W1, jnp.tile(a1r, (1, 32))],
        axis=1)
    b0r = b0.reshape(1, 256)
    b1r = b1.reshape(1, 32)

    src2 = jnp.concatenate([src, src + n])
    dst2 = jnp.concatenate([dst, dst + n])
    z128 = jnp.zeros((n, 128), _F32)

    tsrc, erbt, td = _tc1(x, wt, wr, wd, bn=1000)
    num0 = _sc_edge_l0(src, dst, src2, dst2, tsrc, erbt, z128, n)
    den0 = _sc_den_l0(src, dst, dst2, td, z128, n)
    t1, res1, er1 = _tc2(num0, den0, b0r, wcat, bn=1000)
    num1 = _sc_edge_l1(src, dst, t1, er1, z128, n)
    out = _tc3(num1, res1, b1r, bn=1000)
    return out

# --- scband reference (transcript-rebuilt; emitter-appended) ---
"""Pipeline reference for scband-gat-full-17016660426788 (READ-ONLY COPY).

The authoritative reference and input builder live on the scoring server;
editing this copy changes nothing except your own understanding.
"""

import jax, jax.numpy as jnp
import numpy as np

N = 10000
E = 320000
IN_FEATS = 128
N_HIDDEN = 32
N_CLASSES = 32
H0 = 8  # heads[0]
H1 = 1  # heads[-1]
HID0 = H0 * N_HIDDEN  # 256, layer-1 input dim


def gat_layer(x, src, dst, W, attn_l, attn_r, bias, res_W, heads, out_feats, apply_relu):
    n = x.shape[0]
    feat = (x @ W).reshape(n, heads, out_feats)              # fc projection
    el = jnp.sum(feat * attn_l[None, :, :], axis=-1)         # [N, H]
    er = jnp.sum(feat * attn_r[None, :, :], axis=-1)         # [N, H]
    e = jax.nn.leaky_relu(el[src] + er[dst], negative_slope=0.2)  # [E, H]
    # edge softmax grouped by destination node
    m = jax.ops.segment_max(e, dst, num_segments=n)          # [N, H]
    m = jnp.where(jnp.isfinite(m), m, 0.0)
    ex = jnp.exp(e - m[dst])
    s = jax.ops.segment_sum(ex, dst, num_segments=n)
    a = ex / (s[dst] + 1e-9)                                 # [E, H]
    msg = feat[src] * a[:, :, None]                          # gather + weight
    rst = jax.ops.segment_sum(msg, dst, num_segments=n)      # scatter-add aggregate [N, H, D]
    if res_W is not None:
        rst = rst + (x @ res_W).reshape(n, heads, out_feats)
    rst = rst + bias.reshape(1, heads, out_feats)
    if apply_relu:
        rst = jax.nn.relu(rst)
    return rst


def setup_inputs(seed: int = 0) -> dict:
    key = jax.random.key(seed)
    ks = jax.random.split(key, 12)
    x = jax.random.normal(ks[0], (N, IN_FEATS), dtype=jnp.float32)
    edge_index = jax.random.randint(ks[1], (2, E), 0, N, dtype=jnp.int32)
    # Layer 0: GATConv(128 -> 32, heads=8), no residual, relu
    W0 = jax.random.normal(ks[2], (IN_FEATS, H0 * N_HIDDEN), dtype=jnp.float32) * (1.0 / np.sqrt(IN_FEATS))
    attn_l0 = jax.random.normal(ks[3], (H0, N_HIDDEN), dtype=jnp.float32) * 0.1
    attn_r0 = jax.random.normal(ks[4], (H0, N_HIDDEN), dtype=jnp.float32) * 0.1
    b0 = jnp.zeros((H0 * N_HIDDEN,), dtype=jnp.float32)
    # Layer 1: GATConv(256 -> 32, heads=1), residual=True (256 != 32 -> res linear), no activation
    W1 = jax.random.normal(ks[5], (HID0, H1 * N_CLASSES), dtype=jnp.float32) * (1.0 / np.sqrt(HID0))
    attn_l1 = jax.random.normal(ks[6], (H1, N_CLASSES), dtype=jnp.float32) * 0.1
    attn_r1 = jax.random.normal(ks[7], (H1, N_CLASSES), dtype=jnp.float32) * 0.1
    res_W1 = jax.random.normal(ks[8], (HID0, H1 * N_CLASSES), dtype=jnp.float32) * (1.0 / np.sqrt(HID0))
    b1 = jnp.zeros((H1 * N_CLASSES,), dtype=jnp.float32)
    return {"x": x, "edge_index": edge_index, "W0": W0, "attn_l0": attn_l0, "attn_r0": attn_r0, "b0": b0,
            "W1": W1, "attn_l1": attn_l1, "attn_r1": attn_r1, "res_W1": res_W1, "b1": b1}


def reference(x, edge_index, W0, attn_l0, attn_r0, b0, W1, attn_l1, attn_r1, res_W1, b1):
    src = edge_index[0]
    dst = edge_index[1]
    h = gat_layer(x, src, dst, W0, attn_l0, attn_r0, b0, None, H0, N_HIDDEN, True)
    h = h.reshape(h.shape[0], -1)  # flatten heads: [N, 256]
    h = gat_layer(h, src, dst, W1, attn_l1, attn_r1, b1, res_W1, H1, N_CLASSES, False)
    return h.mean(axis=1)  # mean over output heads -> [N, 32]

if __name__ == "__main__":
    import jax
    _d = setup_inputs()
    print(jax.jit(kernel)(*tuple(_d.values())))

</pallas_src>

<mosaic_0001>
#map = affine_map<(d0, d1) -> (0)>
#map1 = affine_map<(d0, d1) -> (0, 0)>
module attributes {stable_mosaic.version = 14 : i64} {
  func.func @k(%arg0: i32, %arg1: i32, %arg2: memref<320000xi32, #tpu.memory_space<hbm>>, %arg3: memref<320000xi32, #tpu.memory_space<hbm>>, %arg4: memref<10000x128xf32, #tpu.memory_space<hbm>>, %arg5: memref<10000x128xf32, #tpu.memory_space<hbm>>, %arg6: memref<10000x128xf32, #tpu.memory_space<hbm>>, %arg7: memref<20000x128xf32, #tpu.memory_space<hbm>>, %arg8: memref<128xi32, #tpu.memory_space<vmem>>, %arg9: memref<128xi32, #tpu.memory_space<vmem>>, %arg10: memref<16xi32, #tpu.memory_space<vmem>>, %arg11: memref<16xi32, #tpu.memory_space<vmem>>, %arg12: memref<128x128xf32, #tpu.memory_space<vmem>>, %arg13: memref<128x128xf32, #tpu.memory_space<vmem>>, %arg14: memref<128x128xf32, #tpu.memory_space<vmem>>, %arg15: memref<10000x128xf32, #tpu.memory_space<vmem_shared>>, %arg16: memref<!tpu.dma_semaphore, #tpu.memory_space<semaphore_mem>>) attributes {dimension_semantics = [#tpu.dimension_semantics<core_parallel>, #tpu.dimension_semantics<subcore_parallel>], iteration_bounds = array<i64: 2, 16>, scalar_prefetch = 0 : i64, scratch_operands = 9 : i64, tpu.core_type = #tpu.core_type<sc_vector_subcore>, window_params = [{transform_indices = #map}, {transform_indices = #map}, {transform_indices = #map1}, {transform_indices = #map1}, {transform_indices = #map1}, {transform_indices = #map1}]} {
    %eq3A = arith.constant 0 : i32
    %eq3A_0 = arith.cmpi eq, %arg1, %eq3A : i32
    %convert_element_type3A = arith.extui %eq3A_0 : i1 to i32
    %cond3A = arith.constant 0 : i32
    %cond3A_1 = arith.cmpi ne, %convert_element_type3A, %cond3A : i32
    scf.if %cond3A_1 {
      "tpu.region"() ({
        %run_scoped3A = tpu.sem_alloc : memref<!tpu.dma_semaphore, #tpu.memory_space<semaphore_mem>>
        tpu.enqueue_dma source(%arg6 : memref<10000x128xf32, #tpu.memory_space<hbm>>) target(%arg15 : memref<10000x128xf32, #tpu.memory_space<vmem_shared>>) target_semaphore(%run_scoped3A : memref<!tpu.dma_semaphore, #tpu.memory_space<semaphore_mem>>)
        tpu.wait_dma2 semaphore(%run_scoped3A : memref<!tpu.dma_semaphore, #tpu.memory_space<semaphore_mem>>) src(%arg6 : memref<10000x128xf32, #tpu.memory_space<hbm>>) dst(%arg15 : memref<10000x128xf32, #tpu.memory_space<vmem_shared>>)
        tpu.yield
      }) : () -> ()
    } else {
    }
    %scan3A = arith.constant 0 : i32
    %scan3A_2 = arith.constant 0 : i32
    %scan3A_3 = arith.constant 128 : i32
    %scan3A_4 = arith.addi %scan3A_2, %scan3A_3 : i32
    %scan3A_5 = arith.constant 1 : i32
    %scan3A_6 = scf.for %scan3A_55 = %scan3A_2 to %scan3A_4 step %scan3A_5 iter_args(%scan3A_56 = %scan3A) -> (i32)  : i32 {
      %broadcast_in_dim3A = arith.constant 0.000000e+00 : f32
      %broadcast_in_dim3A_57 = vector.broadcast %broadcast_in_dim3A : f32 to vector<16xf32>
      %swap3A = arith.index_cast %scan3A_55 : i32 to index
      %swap3A_58 = arith.constant 64 : index
      %swap3A_59 = tpu.vector_load %arg14[%swap3A, %swap3A_58] {strides = array<i32>} : memref<128x128xf32, #tpu.memory_space<vmem>>, vector<1x16xf32>,
      %swap3A_60 = vector.shape_cast %swap3A_59 : vector<1x16xf32> to vector<16xf32>
      %swap3A_61 = vector.shape_cast %broadcast_in_dim3A_57 : vector<16xf32> to vector<1x16xf32>
      tpu.vector_store %arg14[%swap3A, %swap3A_58], %swap3A_61 {strides = array<i32>} : memref<128x128xf32, #tpu.memory_space<vmem>>, vector<1x16xf32>,
      %broadcast_in_dim3A_62 = arith.constant 0.000000e+00 : f32
      %broadcast_in_dim3A_63 = vector.broadcast %broadcast_in_dim3A_62 : f32 to vector<16xf32>
      %swap3A_64 = arith.index_cast %scan3A_55 : i32 to index
      %swap3A_65 = arith.constant 80 : index
      %swap3A_66 = tpu.vector_load %arg14[%swap3A_64, %swap3A_65] {strides = array<i32>} : memref<128x128xf32, #tpu.memory_space<vmem>>, vector<1x16xf32>,
      %swap3A_67 = vector.shape_cast %swap3A_66 : vector<1x16xf32> to vector<16xf32>
      %swap3A_68 = vector.shape_cast %broadcast_in_dim3A_63 : vector<16xf32> to vector<1x16xf32>
      tpu.vector_store %arg14[%swap3A_64, %swap3A_65], %swap3A_68 {strides = array<i32>} : memref<128x128xf32, #tpu.memory_space<vmem>>, vector<1x16xf32>,
      %broadcast_in_dim3A_69 = arith.constant 0.000000e+00 : f32
      %broadcast_in_dim3A_70 = vector.broadcast %broadcast_in_dim3A_69 : f32 to vector<16xf32>
      %swap3A_71 = arith.index_cast %scan3A_55 : i32 to index
      %swap3A_72 = arith.constant 96 : index
      %swap3A_73 = tpu.vector_load %arg14[%swap3A_71, %swap3A_72] {strides = array<i32>} : memref<128x128xf32, #tpu.memory_space<vmem>>, vector<1x16xf32>,
      %swap3A_74 = vector.shape_cast %swap3A_73 : vector<1x16xf32> to vector<16xf32>
      %swap3A_75 = vector.shape_cast %broadcast_in_dim3A_70 : vector<16xf32> to vector<1x16xf32>
      tpu.vector_store %arg14[%swap3A_71, %swap3A_72], %swap3A_75 {strides = array<i32>} : memref<128x128xf32, #tpu.memory_space<vmem>>, vector<1x16xf32>,
      %broadcast_in_dim3A_76 = arith.constant 0.000000e+00 : f32
      %broadcast_in_dim3A_77 = vector.broadcast %broadcast_in_dim3A_76 : f32 to vector<16xf32>
      %swap3A_78 = arith.index_cast %scan3A_55 : i32 to index
      %swap3A_79 = arith.constant 112 : index
      %swap3A_80 = tpu.vector_load %arg14[%swap3A_78, %swap3A_79] {strides = array<i32>} : memref<128x128xf32, #tpu.memory_space<vmem>>, vector<1x16xf32>,
      %swap3A_81 = vector.shape_cast %swap3A_80 : vector<1x16xf32> to vector<16xf32>
      %swap3A_82 = vector.shape_cast %broadcast_in_dim3A_77 : vector<16xf32> to vector<1x16xf32>
      tpu.vector_store %arg14[%swap3A_78, %swap3A_79], %swap3A_82 {strides = array<i32>} : memref<128x128xf32, #tpu.memory_space<vmem>>, vector<1x16xf32>,
      %scan3A_83 = arith.constant 0 : i32
      scf.yield %scan3A_83 : i32
    }
    %scan3A_7 = arith.constant 128 : i32
    %barrier3A = arith.constant 0 : index
    tpu.barrier barrier_id(%barrier3A)
    %mul3A = arith.constant 160000 : i32
    %mul3A_8 = arith.muli %arg0, %mul3A : i32
    %mul3A_9 = arith.constant 10000 : i32
    %mul3A_10 = arith.muli %arg1, %mul3A_9 : i32
    %add3A = arith.addi %mul3A_8, %mul3A_10 : i32
    %scan3A_11 = arith.constant 0 : i32
    %scan3A_12 = arith.constant 0 : i32
    %scan3A_13 = arith.constant 78 : i32
    %scan3A_14 = arith.addi %scan3A_12, %scan3A_13 : i32
    %scan3A_15 = arith.constant 1 : i32
    %scan3A_16 = scf.for %scan3A_55 = %scan3A_12 to %scan3A_14 step %scan3A_15 iter_args(%scan3A_56 = %scan3A_11) -> (i32)  : i32 {
      %mul3A_57 = arith.constant 128 : i32
      %mul3A_58 = arith.muli %scan3A_55, %mul3A_57 : i32
      %add3A_59 = arith.addi %add3A, %mul3A_58 : i32
      "tpu.region"() ({
        %run_scoped3A = tpu.sem_alloc : memref<!tpu.dma_semaphore, #tpu.memory_space<semaphore_mem>>
        %dma_start3A_92 = tpu.memref_slice %arg2[%add3A_59] : memref<320000xi32, #tpu.memory_space<hbm>> -> memref<128xi32, #tpu.memory_space<hbm>>
        %dma_start3A_93 = tpu.memref_slice %arg2[%add3A_59] : memref<320000xi32, #tpu.memory_space<hbm>> -> memref<128xi32, #tpu.memory_space<hbm>>
        tpu.enqueue_dma source(%dma_start3A_93 : memref<128xi32, #tpu.memory_space<hbm>>) target(%arg8 : memref<128xi32, #tpu.memory_space<vmem>>) target_semaphore(%run_scoped3A : memref<!tpu.dma_semaphore, #tpu.memory_space<semaphore_mem>>)
        %dma_wait3A_94 = tpu.memref_slice %arg2[%add3A_59] : memref<320000xi32, #tpu.memory_space<hbm>> -> memref<128xi32, #tpu.memory_space<hbm>>
        %dma_wait3A_95 = tpu.memref_slice %arg2[%add3A_59] : memref<320000xi32, #tpu.memory_space<hbm>> -> memref<128xi32, #tpu.memory_space<hbm>>
        tpu.wait_dma2 semaphore(%run_scoped3A : memref<!tpu.dma_semaphore, #tpu.memory_space<semaphore_mem>>) src(%dma_wait3A_95 : memref<128xi32, #tpu.memory_space<hbm>>) dst(%arg8 : memref<128xi32, #tpu.memory_space<vmem>>)
        tpu.yield
      }) : () -> ()
      "tpu.region"() ({
        %run_scoped3A = tpu.sem_alloc : memref<!tpu.dma_semaphore, #tpu.memory_space<semaphore_mem>>
        %dma_start3A_92 = tpu.memref_slice %arg3[%add3A_59] : memref<320000xi32, #tpu.memory_space<hbm>> -> memref<128xi32, #tpu.memory_space<hbm>>
        %dma_start3A_93 = tpu.memref_slice %arg3[%add3A_59] : memref<320000xi32, #tpu.memory_space<hbm>> -> memref<128xi32, #tpu.memory_space<hbm>>
        tpu.enqueue_dma source(%dma_start3A_93 : memref<128xi32, #tpu.memory_space<hbm>>) target(%arg9 : memref<128xi32, #tpu.memory_space<vmem>>) target_semaphore(%run_scoped3A : memref<!tpu.dma_semaphore, #tpu.memory_space<semaphore_mem>>)
        %dma_wait3A_94 = tpu.memref_slice %arg3[%add3A_59] : memref<320000xi32, #tpu.memory_space<hbm>> -> memref<128xi32, #tpu.memory_space<hbm>>
        %dma_wait3A_95 = tpu.memref_slice %arg3[%add3A_59] : memref<320000xi32, #tpu.memory_space<hbm>> -> memref<128xi32, #tpu.memory_space<hbm>>
        tpu.wait_dma2 semaphore(%run_scoped3A : memref<!tpu.dma_semaphore, #tpu.memory_space<semaphore_mem>>) src(%dma_wait3A_95 : memref<128xi32, #tpu.memory_space<hbm>>) dst(%arg9 : memref<128xi32, #tpu.memory_space<vmem>>)
        tpu.yield
      }) : () -> ()
      %dma_start3A_60 = arith.constant 0 : i32
      %dma_start3A_61 = arith.constant 0 : i32
      %dma_start3A_62 = tpu.memref_slice %arg12[%dma_start3A_60, %dma_start3A_61] : memref<128x128xf32, #tpu.memory_space<vmem>> -> memref<128x128xf32, #tpu.memory_space<vmem>>
      %dma_start3A_63 = arith.constant 0 : i32
      %dma_start3A_64 = arith.constant 0 : i32
      %dma_start3A_65 = tpu.memref_slice %arg4[%dma_start3A_63, %dma_start3A_64] : memref<10000x128xf32, #tpu.memory_space<hbm>> -> memref<10000x128xf32, #tpu.memory_space<hbm>>
      tpu.enqueue_indirect_dma source(%dma_start3A_65 : memref<10000x128xf32, #tpu.memory_space<hbm>>) target(%dma_start3A_62 : memref<128x128xf32, #tpu.memory_space<vmem>>) offsets(%arg8 : memref<128xi32, #tpu.memory_space<vmem>>) semaphore(%arg16 : memref<!tpu.dma_semaphore, #tpu.memory_space<semaphore_mem>>)
      %dma_wait3A_66 = arith.constant 0 : i32
      %dma_wait3A_67 = arith.constant 0 : i32
      %dma_wait3A_68 = tpu.memref_slice %arg12[%dma_wait3A_66, %dma_wait3A_67] : memref<128x128xf32, #tpu.memory_space<vmem>> -> memref<128x128xf32, #tpu.memory_space<vmem>>
      %dma_wait3A_69 = arith.constant 0 : i32
      %dma_wait3A_70 = arith.constant 0 : i32
      %dma_wait3A_71 = tpu.memref_slice %arg4[%dma_wait3A_69, %dma_wait3A_70] : memref<10000x128xf32, #tpu.memory_space<hbm>> -> memref<10000x128xf32, #tpu.memory_space<hbm>>
      tpu.wait_indirect_dma semaphore(%arg16 : memref<!tpu.dma_semaphore, #tpu.memory_space<semaphore_mem>>) src(%dma_wait3A_71 : memref<10000x128xf32, #tpu.memory_space<hbm>>) dst(%dma_wait3A_68 : memref<128x128xf32, #tpu.memory_space<vmem>>)
      %dma_start3A_72 = arith.constant 0 : i32
      %dma_start3A_73 = arith.constant 0 : i32
      %dma_start3A_74 = tpu.memref_slice %arg13[%dma_start3A_72, %dma_start3A_73] : memref<128x128xf32, #tpu.memory_space<vmem>> -> memref<128x128xf32, #tpu.memory_space<vmem>>
      %dma_start3A_75 = arith.constant 0 : i32
      %dma_start3A_76 = arith.constant 0 : i32
      %dma_start3A_77 = tpu.memref_slice %arg5[%dma_start3A_75, %dma_start3A_76] : memref<10000x128xf32, #tpu.memory_space<hbm>> -> memref<10000x128xf32, #tpu.memory_space<hbm>>
      tpu.enqueue_indirect_dma source(%dma_start3A_77 : memref<10000x128xf32, #tpu.memory_space<hbm>>) target(%dma_start3A_74 : memref<128x128xf32, #tpu.memory_space<vmem>>) offsets(%arg9 : memref<128xi32, #tpu.memory_space<vmem>>) semaphore(%arg16 : memref<!tpu.dma_semaphore, #tpu.memory_space<semaphore_mem>>)
      %dma_wait3A_78 = arith.constant 0 : i32
      %dma_wait3A_79 = arith.constant 0 : i32
      %dma_wait3A_80 = tpu.memref_slice %arg13[%dma_wait3A_78, %dma_wait3A_79] : memref<128x128xf32, #tpu.memory_space<vmem>> -> memref<128x128xf32, #tpu.memory_space<vmem>>
      %dma_wait3A_81 = arith.constant 0 : i32
      %dma_wait3A_82 = arith.constant 0 : i32
      %dma_wait3A_83 = tpu.memref_slice %arg5[%dma_wait3A_81, %dma_wait3A_82] : memref<10000x128xf32, #tpu.memory_space<hbm>> -> memref<10000x128xf32, #tpu.memory_space<hbm>>
      tpu.wait_indirect_dma semaphore(%arg16 : memref<!tpu.dma_semaphore, #tpu.memory_space<semaphore_mem>>) src(%dma_wait3A_83 : memref<10000x128xf32, #tpu.memory_space<hbm>>) dst(%dma_wait3A_80 : memref<128x128xf32, #tpu.memory_space<vmem>>)
      %scan3A_84 = arith.constant 0 : i32
      %scan3A_85 = arith.constant 0 : i32
      %scan3A_86 = arith.constant 128 : i32
      %scan3A_87 = arith.addi %scan3A_85, %scan3A_86 : i32
      %scan3A_88 = arith.constant 1 : i32
      %scan3A_89 = scf.for %scan3A_92 = %scan3A_85 to %scan3A_87 step %scan3A_88 iter_args(%scan3A_93 = %scan3A_84) -> (i32)  : i32 {
        %get3A = arith.index_cast %scan3A_92 : i32 to index
        %get3A_94 = arith.constant 32 : index
        %get3A_95 = tpu.vector_load %arg12[%get3A, %get3A_94] {strides = array<i32>} : memref<128x128xf32, #tpu.memory_space<vmem>>, vector<1x16xf32>,
        %get3A_96 = vector.shape_cast %get3A_95 : vector<1x16xf32> to vector<16xf32>
        %get3A_97 = arith.index_cast %scan3A_92 : i32 to index
        %get3A_98 = arith.constant 0 : index
        %get3A_99 = tpu.vector_load %arg13[%get3A_97, %get3A_98] {strides = array<i32>} : memref<128x128xf32, #tpu.memory_space<vmem>>, vector<1x16xf32>,
        %get3A_100 = vector.shape_cast %get3A_99 : vector<1x16xf32> to vector<16xf32>
        %add3A_101 = arith.addf %get3A_96, %get3A_100 : vector<16xf32>
        %mul3A_102 = arith.constant 2.000000e-01 : f32
        %mul3A_103 = vector.broadcast %mul3A_102 : f32 to vector<16xf32>
        %mul3A_104 = arith.mulf %mul3A_103, %add3A_101 : vector<16xf32>
        %max3A = arith.maximumf %add3A_101, %mul3A_104 : vector<16xf32>
        %exp3A = math.exp %max3A : vector<16xf32>
        %get3A_105 = arith.index_cast %scan3A_92 : i32 to index
        %get3A_106 = arith.constant 0 : index
        %get3A_107 = tpu.vector_load %arg12[%get3A_105, %get3A_106] {strides = array<i32>} : memref<128x128xf32, #tpu.memory_space<vmem>>, vector<1x16xf32>,
        %get3A_108 = vector.shape_cast %get3A_107 : vector<1x16xf32> to vector<16xf32>
        %mul3A_109 = arith.mulf %get3A_108, %exp3A : vector<16xf32>
        %swap3A = arith.index_cast %scan3A_92 : i32 to index
        %swap3A_110 = arith.constant 0 : index
        %swap3A_111 = tpu.vector_load %arg14[%swap3A, %swap3A_110] {strides = array<i32>} : memref<128x128xf32, #tpu.memory_space<vmem>>, vector<1x16xf32>,
        %swap3A_112 = vector.shape_cast %swap3A_111 : vector<1x16xf32> to vector<16xf32>
        %swap3A_113 = vector.shape_cast %mul3A_109 : vector<16xf32> to vector<1x16xf32>
        tpu.vector_store %arg14[%swap3A, %swap3A_110], %swap3A_113 {strides = array<i32>} : memref<128x128xf32, #tpu.memory_space<vmem>>, vector<1x16xf32>,
        %swap3A_114 = arith.index_cast %scan3A_92 : i32 to index
        %swap3A_115 = arith.constant 32 : index
        %swap3A_116 = tpu.vector_load %arg14[%swap3A_114, %swap3A_115] {strides = array<i32>} : memref<128x128xf32, #tpu.memory_space<vmem>>, vector<1x16xf32>,
        %swap3A_117 = vector.shape_cast %swap3A_116 : vector<1x16xf32> to vector<16xf32>
        %swap3A_118 = vector.shape_cast %exp3A : vector<16xf32> to vector<1x16xf32>
        tpu.vector_store %arg14[%swap3A_114, %swap3A_115], %swap3A_118 {strides = array<i32>} : memref<128x128xf32, #tpu.memory_space<vmem>>, vector<1x16xf32>,
        %get3A_119 = arith.index_cast %scan3A_92 : i32 to index
        %get3A_120 = arith.constant 48 : index
        %get3A_121 = tpu.vector_load %arg12[%get3A_119, %get3A_120] {strides = array<i32>} : memref<128x128xf32, #tpu.memory_space<vmem>>, vector<1x16xf32>,
        %get3A_122 = vector.shape_cast %get3A_121 : vector<1x16xf32> to vector<16xf32>
        %get3A_123 = arith.index_cast %scan3A_92 : i32 to index
        %get3A_124 = arith.constant 16 : index
        %get3A_125 = tpu.vector_load %arg13[%get3A_123, %get3A_124] {strides = array<i32>} : memref<128x128xf32, #tpu.memory_space<vmem>>, vector<1x16xf32>,
        %get3A_126 = vector.shape_cast %get3A_125 : vector<1x16xf32> to vector<16xf32>
        %add3A_127 = arith.addf %get3A_122, %get3A_126 : vector<16xf32>
        %mul3A_128 = arith.constant 2.000000e-01 : f32
        %mul3A_129 = vector.broadcast %mul3A_128 : f32 to vector<16xf32>
        %mul3A_130 = arith.mulf %mul3A_129, %add3A_127 : vector<16xf32>
        %max3A_131 = arith.maximumf %add3A_127, %mul3A_130 : vector<16xf32>
        %exp3A_132 = math.exp %max3A_131 : vector<16xf32>
        %get3A_133 = arith.index_cast %scan3A_92 : i32 to index
        %get3A_134 = arith.constant 16 : index
        %get3A_135 = tpu.vector_load %arg12[%get3A_133, %get3A_134] {strides = array<i32>} : memref<128x128xf32, #tpu.memory_space<vmem>>, vector<1x16xf32>,
        %get3A_136 = vector.shape_cast %get3A_135 : vector<1x16xf32> to vector<16xf32>
        %mul3A_137 = arith.mulf %get3A_136, %exp3A_132 : vector<16xf32>
        %swap3A_138 = arith.index_cast %scan3A_92 : i32 to index
        %swap3A_139 = arith.constant 16 : index
        %swap3A_140 = tpu.vector_load %arg14[%swap3A_138, %swap3A_139] {strides = array<i32>} : memref<128x128xf32, #tpu.memory_space<vmem>>, vector<1x16xf32>,
        %swap3A_141 = vector.shape_cast %swap3A_140 : vector<1x16xf32> to vector<16xf32>
        %swap3A_142 = vector.shape_cast %mul3A_137 : vector<16xf32> to vector<1x16xf32>
        tpu.vector_store %arg14[%swap3A_138, %swap3A_139], %swap3A_142 {strides = array<i32>} : memref<128x128xf32, #tpu.memory_space<vmem>>, vector<1x16xf32>,
        %swap3A_143 = arith.index_cast %scan3A_92 : i32 to index
        %swap3A_144 = arith.constant 48 : index
        %swap3A_145 = tpu.vector_load %arg14[%swap3A_143, %swap3A_144] {strides = array<i32>} : memref<128x128xf32, #tpu.memory_space<vmem>>, vector<1x16xf32>,
        %swap3A_146 = vector.shape_cast %swap3A_145 : vector<1x16xf32> to vector<16xf32>
        %swap3A_147 = vector.shape_cast %exp3A_132 : vector<16xf32> to vector<1x16xf32>
        tpu.vector_store %arg14[%swap3A_143, %swap3A_144], %swap3A_147 {strides = array<i32>} : memref<128x128xf32, #tpu.memory_space<vmem>>, vector<1x16xf32>,
        %scan3A_148 = arith.constant 0 : i32
        scf.yield %scan3A_148 : i32
      }
      %scan3A_90 = arith.constant 128 : i32
      "tpu.region"() ({
        %run_scoped3A = tpu.sem_alloc : memref<!tpu.dma_semaphore, #tpu.memory_space<semaphore_mem>>
        %dma_start3A_92 = arith.constant 0 : i32
        %dma_start3A_93 = arith.constant 0 : i32
        %dma_start3A_94 = tpu.memref_slice %arg14[%dma_start3A_92, %dma_start3A_93] : memref<128x128xf32, #tpu.memory_space<vmem>> -> memref<128x128xf32, #tpu.memory_space<vmem>>
        %dma_start3A_95 = arith.constant 0 : i32
        %dma_start3A_96 = arith.constant 0 : i32
        %dma_start3A_97 = tpu.memref_slice %arg15[%dma_start3A_95, %dma_start3A_96] : memref<10000x128xf32, #tpu.memory_space<vmem_shared>> -> memref<10000x128xf32, #tpu.memory_space<vmem_shared>>
        tpu.enqueue_indirect_dma source(%dma_start3A_94 : memref<128x128xf32, #tpu.memory_space<vmem>>) target(%dma_start3A_97 : memref<10000x128xf32, #tpu.memory_space<vmem_shared>>) offsets(%arg9 : memref<128xi32, #tpu.memory_space<vmem>>) semaphore(%run_scoped3A : memref<!tpu.dma_semaphore, #tpu.memory_space<semaphore_mem>>) {add = true}
        %dma_wait3A_98 = arith.constant 0 : i32
        %dma_wait3A_99 = arith.constant 0 : i32
        %dma_wait3A_100 = tpu.memref_slice %arg14[%dma_wait3A_98, %dma_wait3A_99] : memref<128x128xf32, #tpu.memory_space<vmem>> -> memref<128x128xf32, #tpu.memory_space<vmem>>
        %dma_wait3A_101 = arith.constant 0 : i32
        %dma_wait3A_102 = arith.constant 0 : i32
        %dma_wait3A_103 = tpu.memref_slice %arg15[%dma_wait3A_101, %dma_wait3A_102] : memref<10000x128xf32, #tpu.memory_space<vmem_shared>> -> memref<10000x128xf32, #tpu.memory_space<vmem_shared>>
        tpu.wait_indirect_dma semaphore(%run_scoped3A : memref<!tpu.dma_semaphore, #tpu.memory_space<semaphore_mem>>) src(%dma_wait3A_100 : memref<128x128xf32, #tpu.memory_space<vmem>>) dst(%dma_wait3A_103 : memref<10000x128xf32, #tpu.memory_space<vmem_shared>>)
        tpu.yield
      }) : () -> ()
      %scan3A_91 = arith.constant 0 : i32
      scf.yield %scan3A_91 : i32
    }
    %scan3A_17 = arith.constant 78 : i32
    %add3A_18 = arith.constant 9984 : i32
    %add3A_19 = arith.addi %add3A, %add3A_18 : i32
    "tpu.region"() ({
      %run_scoped3A = tpu.sem_alloc : memref<!tpu.dma_semaphore, #tpu.memory_space<semaphore_mem>>
      %dma_start3A_55 = tpu.memref_slice %arg2[%add3A_19] : memref<320000xi32, #tpu.memory_space<hbm>> -> memref<16xi32, #tpu.memory_space<hbm>>
      %dma_start3A_56 = tpu.memref_slice %arg2[%add3A_19] : memref<320000xi32, #tpu.memory_space<hbm>> -> memref<16xi32, #tpu.memory_space<hbm>>
      tpu.enqueue_dma source(%dma_start3A_56 : memref<16xi32, #tpu.memory_space<hbm>>) target(%arg10 : memref<16xi32, #tpu.memory_space<vmem>>) target_semaphore(%run_scoped3A : memref<!tpu.dma_semaphore, #tpu.memory_space<semaphore_mem>>)
      %dma_wait3A_57 = tpu.memref_slice %arg2[%add3A_19] : memref<320000xi32, #tpu.memory_space<hbm>> -> memref<16xi32, #tpu.memory_space<hbm>>
      %dma_wait3A_58 = tpu.memref_slice %arg2[%add3A_19] : memref<320000xi32, #tpu.memory_space<hbm>> -> memref<16xi32, #tpu.memory_space<hbm>>
      tpu.wait_dma2 semaphore(%run_scoped3A : memref<!tpu.dma_semaphore, #tpu.memory_space<semaphore_mem>>) src(%dma_wait3A_58 : memref<16xi32, #tpu.memory_space<hbm>>) dst(%arg10 : memref<16xi32, #tpu.memory_space<vmem>>)
      tpu.yield
    }) : () -> ()
    "tpu.region"() ({
      %run_scoped3A = tpu.sem_alloc : memref<!tpu.dma_semaphore, #tpu.memory_space<semaphore_mem>>
      %dma_start3A_55 = tpu.memref_slice %arg3[%add3A_19] : memref<320000xi32, #tpu.memory_space<hbm>> -> memref<16xi32, #tpu.memory_space<hbm>>
      %dma_start3A_56 = tpu.memref_slice %arg3[%add3A_19] : memref<320000xi32, #tpu.memory_space<hbm>> -> memref<16xi32, #tpu.memory_space<hbm>>
      tpu.enqueue_dma source(%dma_start3A_56 : memref<16xi32, #tpu.memory_space<hbm>>) target(%arg11 : memref<16xi32, #tpu.memory_space<vmem>>) target_semaphore(%run_scoped3A : memref<!tpu.dma_semaphore, #tpu.memory_space<semaphore_mem>>)
      %dma_wait3A_57 = tpu.memref_slice %arg3[%add3A_19] : memref<320000xi32, #tpu.memory_space<hbm>> -> memref<16xi32, #tpu.memory_space<hbm>>
      %dma_wait3A_58 = tpu.memref_slice %arg3[%add3A_19] : memref<320000xi32, #tpu.memory_space<hbm>> -> memref<16xi32, #tpu.memory_space<hbm>>
      tpu.wait_dma2 semaphore(%run_scoped3A : memref<!tpu.dma_semaphore, #tpu.memory_space<semaphore_mem>>) src(%dma_wait3A_58 : memref<16xi32, #tpu.memory_space<hbm>>) dst(%arg11 : memref<16xi32, #tpu.memory_space<vmem>>)
      tpu.yield
    }) : () -> ()
    %dma_start3A = arith.constant 0 : i32
    %dma_start3A_20 = arith.constant 0 : i32
    %dma_start3A_21 = tpu.memref_slice %arg12[%dma_start3A, %dma_start3A_20] : memref<128x128xf32, #tpu.memory_space<vmem>> -> memref<16x128xf32, #tpu.memory_space<vmem>>
    %dma_start3A_22 = arith.constant 0 : i32
    %dma_start3A_23 = arith.constant 0 : i32
    %dma_start3A_24 = tpu.memref_slice %arg4[%dma_start3A_22, %dma_start3A_23] : memref<10000x128xf32, #tpu.memory_space<hbm>> -> memref<10000x128xf32, #tpu.memory_space<hbm>>
    tpu.enqueue_indirect_dma source(%dma_start3A_24 : memref<10000x128xf32, #tpu.memory_space<hbm>>) target(%dma_start3A_21 : memref<16x128xf32, #tpu.memory_space<vmem>>) offsets(%arg10 : memref<16xi32, #tpu.memory_space<vmem>>) semaphore(%arg16 : memref<!tpu.dma_semaphore, #tpu.memory_space<semaphore_mem>>)
    %dma_wait3A = arith.constant 0 : i32
    %dma_wait3A_25 = arith.constant 0 : i32
    %dma_wait3A_26 = tpu.memref_slice %arg12[%dma_wait3A, %dma_wait3A_25] : memref<128x128xf32, #tpu.memory_space<vmem>> -> memref<16x128xf32, #tpu.memory_space<vmem>>
    %dma_wait3A_27 = arith.constant 0 : i32
    %dma_wait3A_28 = arith.constant 0 : i32
    %dma_wait3A_29 = tpu.memref_slice %arg4[%dma_wait3A_27, %dma_wait3A_28] : memref<10000x128xf32, #tpu.memory_space<hbm>> -> memref<10000x128xf32, #tpu.memory_space<hbm>>
    tpu.wait_indirect_dma semaphore(%arg16 : memref<!tpu.dma_semaphore, #tpu.memory_space<semaphore_mem>>) src(%dma_wait3A_29 : memref<10000x128xf32, #tpu.memory_space<hbm>>) dst(%dma_wait3A_26 : memref<16x128xf32, #tpu.memory_space<vmem>>)
    %dma_start3A_30 = arith.constant 0 : i32
    %dma_start3A_31 = arith.constant 0 : i32
    %dma_start3A_32 = tpu.memref_slice %arg13[%dma_start3A_30, %dma_start3A_31] : memref<128x128xf32, #tpu.memory_space<vmem>> -> memref<16x128xf32, #tpu.memory_space<vmem>>
    %dma_start3A_33 = arith.constant 0 : i32
    %dma_start3A_34 = arith.constant 0 : i32
    %dma_start3A_35 = tpu.memref_slice %arg5[%dma_start3A_33, %dma_start3A_34] : memref<10000x128xf32, #tpu.memory_space<hbm>> -> memref<10000x128xf32, #tpu.memory_space<hbm>>
    tpu.enqueue_indirect_dma source(%dma_start3A_35 : memref<10000x128xf32, #tpu.memory_space<hbm>>) target(%dma_start3A_32 : memref<16x128xf32, #tpu.memory_space<vmem>>) offsets(%arg11 : memref<16xi32, #tpu.memory_space<vmem>>) semaphore(%arg16 : memref<!tpu.dma_semaphore, #tpu.memory_space<semaphore_mem>>)
    %dma_wait3A_36 = arith.constant 0 : i32
    %dma_wait3A_37 = arith.constant 0 : i32
    %dma_wait3A_38 = tpu.memref_slice %arg13[%dma_wait3A_36, %dma_wait3A_37] : memref<128x128xf32, #tpu.memory_space<vmem>> -> memref<16x128xf32, #tpu.memory_space<vmem>>
    %dma_wait3A_39 = arith.constant 0 : i32
    %dma_wait3A_40 = arith.constant 0 : i32
    %dma_wait3A_41 = tpu.memref_slice %arg5[%dma_wait3A_39, %dma_wait3A_40] : memref<10000x128xf32, #tpu.memory_space<hbm>> -> memref<10000x128xf32, #tpu.memory_space<hbm>>
    tpu.wait_indirect_dma semaphore(%arg16 : memref<!tpu.dma_semaphore, #tpu.memory_space<semaphore_mem>>) src(%dma_wait3A_41 : memref<10000x128xf32, #tpu.memory_space<hbm>>) dst(%dma_wait3A_38 : memref<16x128xf32, #tpu.memory_space<vmem>>)
    %scan3A_42 = arith.constant 0 : i32
    %scan3A_43 = arith.constant 0 : i32
    %scan3A_44 = arith.constant 16 : i32
    %scan3A_45 = arith.addi %scan3A_43, %scan3A_44 : i32
    %scan3A_46 = arith.constant 1 : i32
    %scan3A_47 = scf.for %scan3A_55 = %scan3A_43 to %scan3A_45 step %scan3A_46 iter_args(%scan3A_56 = %scan3A_42) -> (i32)  : i32 {
      %get3A = arith.index_cast %scan3A_55 : i32 to index
      %get3A_57 = arith.constant 32 : index
      %get3A_58 = tpu.vector_load %arg12[%get3A, %get3A_57] {strides = array<i32>} : memref<128x128xf32, #tpu.memory_space<vmem>>, vector<1x16xf32>,
      %get3A_59 = vector.shape_cast %get3A_58 : vector<1x16xf32> to vector<16xf32>
      %get3A_60 = arith.index_cast %scan3A_55 : i32 to index
      %get3A_61 = arith.constant 0 : index
      %get3A_62 = tpu.vector_load %arg13[%get3A_60, %get3A_61] {strides = array<i32>} : memref<128x128xf32, #tpu.memory_space<vmem>>, vector<1x16xf32>,
      %get3A_63 = vector.shape_cast %get3A_62 : vector<1x16xf32> to vector<16xf32>
      %add3A_64 = arith.addf %get3A_59, %get3A_63 : vector<16xf32>
      %mul3A_65 = arith.constant 2.000000e-01 : f32
      %mul3A_66 = vector.broadcast %mul3A_65 : f32 to vector<16xf32>
      %mul3A_67 = arith.mulf %mul3A_66, %add3A_64 : vector<16xf32>
      %max3A = arith.maximumf %add3A_64, %mul3A_67 : vector<16xf32>
      %exp3A = math.exp %max3A : vector<16xf32>
      %get3A_68 = arith.index_cast %scan3A_55 : i32 to index
      %get3A_69 = arith.constant 0 : index
      %get3A_70 = tpu.vector_load %arg12[%get3A_68, %get3A_69] {strides = array<i32>} : memref<128x128xf32, #tpu.memory_space<vmem>>, vector<1x16xf32>,
      %get3A_71 = vector.shape_cast %get3A_70 : vector<1x16xf32> to vector<16xf32>
      %mul3A_72 = arith.mulf %get3A_71, %exp3A : vector<16xf32>
      %swap3A = arith.index_cast %scan3A_55 : i32 to index
      %swap3A_73 = arith.constant 0 : index
      %swap3A_74 = tpu.vector_load %arg14[%swap3A, %swap3A_73] {strides = array<i32>} : memref<128x128xf32, #tpu.memory_space<vmem>>, vector<1x16xf32>,
      %swap3A_75 = vector.shape_cast %swap3A_74 : vector<1x16xf32> to vector<16xf32>
      %swap3A_76 = vector.shape_cast %mul3A_72 : vector<16xf32> to vector<1x16xf32>
      tpu.vector_store %arg14[%swap3A, %swap3A_73], %swap3A_76 {strides = array<i32>} : memref<128x128xf32, #tpu.memory_space<vmem>>, vector<1x16xf32>,
      %swap3A_77 = arith.index_cast %scan3A_55 : i32 to index
      %swap3A_78 = arith.constant 32 : index
      %swap3A_79 = tpu.vector_load %arg14[%swap3A_77, %swap3A_78] {strides = array<i32>} : memref<128x128xf32, #tpu.memory_space<vmem>>, vector<1x16xf32>,
      %swap3A_80 = vector.shape_cast %swap3A_79 : vector<1x16xf32> to vector<16xf32>
      %swap3A_81 = vector.shape_cast %exp3A : vector<16xf32> to vector<1x16xf32>
      tpu.vector_store %arg14[%swap3A_77, %swap3A_78], %swap3A_81 {strides = array<i32>} : memref<128x128xf32, #tpu.memory_space<vmem>>, vector<1x16xf32>,
      %get3A_82 = arith.index_cast %scan3A_55 : i32 to index
      %get3A_83 = arith.constant 48 : index
      %get3A_84 = tpu.vector_load %arg12[%get3A_82, %get3A_83] {strides = array<i32>} : memref<128x128xf32, #tpu.memory_space<vmem>>, vector<1x16xf32>,
      %get3A_85 = vector.shape_cast %get3A_84 : vector<1x16xf32> to vector<16xf32>
      %get3A_86 = arith.index_cast %scan3A_55 : i32 to index
      %get3A_87 = arith.constant 16 : index
      %get3A_88 = tpu.vector_load %arg13[%get3A_86, %get3A_87] {strides = array<i32>} : memref<128x128xf32, #tpu.memory_space<vmem>>, vector<1x16xf32>,
      %get3A_89 = vector.shape_cast %get3A_88 : vector<1x16xf32> to vector<16xf32>
      %add3A_90 = arith.addf %get3A_85, %get3A_89 : vector<16xf32>
      %mul3A_91 = arith.constant 2.000000e-01 : f32
      %mul3A_92 = vector.broadcast %mul3A_91 : f32 to vector<16xf32>
      %mul3A_93 = arith.mulf %mul3A_92, %add3A_90 : vector<16xf32>
      %max3A_94 = arith.maximumf %add3A_90, %mul3A_93 : vector<16xf32>
      %exp3A_95 = math.exp %max3A_94 : vector<16xf32>
      %get3A_96 = arith.index_cast %scan3A_55 : i32 to index
      %get3A_97 = arith.constant 16 : index
      %get3A_98 = tpu.vector_load %arg12[%get3A_96, %get3A_97] {strides = array<i32>} : memref<128x128xf32, #tpu.memory_space<vmem>>, vector<1x16xf32>,
      %get3A_99 = vector.shape_cast %get3A_98 : vector<1x16xf32> to vector<16xf32>
      %mul3A_100 = arith.mulf %get3A_99, %exp3A_95 : vector<16xf32>
      %swap3A_101 = arith.index_cast %scan3A_55 : i32 to index
      %swap3A_102 = arith.constant 16 : index
      %swap3A_103 = tpu.vector_load %arg14[%swap3A_101, %swap3A_102] {strides = array<i32>} : memref<128x128xf32, #tpu.memory_space<vmem>>, vector<1x16xf32>,
      %swap3A_104 = vector.shape_cast %swap3A_103 : vector<1x16xf32> to vector<16xf32>
      %swap3A_105 = vector.shape_cast %mul3A_100 : vector<16xf32> to vector<1x16xf32>
      tpu.vector_store %arg14[%swap3A_101, %swap3A_102], %swap3A_105 {strides = array<i32>} : memref<128x128xf32, #tpu.memory_space<vmem>>, vector<1x16xf32>,
      %swap3A_106 = arith.index_cast %scan3A_55 : i32 to index
      %swap3A_107 = arith.constant 48 : index
      %swap3A_108 = tpu.vector_load %arg14[%swap3A_106, %swap3A_107] {strides = array<i32>} : memref<128x128xf32, #tpu.memory_space<vmem>>, vector<1x16xf32>,
      %swap3A_109 = vector.shape_cast %swap3A_108 : vector<1x16xf32> to vector<16xf32>
      %swap3A_110 = vector.shape_cast %exp3A_95 : vector<16xf32> to vector<1x16xf32>
      tpu.vector_store %arg14[%swap3A_106, %swap3A_107], %swap3A_110 {strides = array<i32>} : memref<128x128xf32, #tpu.memory_space<vmem>>, vector<1x16xf32>,
      %scan3A_111 = arith.constant 0 : i32
      scf.yield %scan3A_111 : i32
    }
    %scan3A_48 = arith.constant 16 : i32
    "tpu.region"() ({
      %run_scoped3A = tpu.sem_alloc : memref<!tpu.dma_semaphore, #tpu.memory_space<semaphore_mem>>
      %dma_start3A_55 = arith.constant 0 : i32
      %dma_start3A_56 = arith.constant 0 : i32
      %dma_start3A_57 = tpu.memref_slice %arg14[%dma_start3A_55, %dma_start3A_56] : memref<128x128xf32, #tpu.memory_space<vmem>> -> memref<16x128xf32, #tpu.memory_space<vmem>>
      %dma_start3A_58 = arith.constant 0 : i32
      %dma_start3A_59 = arith.constant 0 : i32
      %dma_start3A_60 = tpu.memref_slice %arg15[%dma_start3A_58, %dma_start3A_59] : memref<10000x128xf32, #tpu.memory_space<vmem_shared>> -> memref<10000x128xf32, #tpu.memory_space<vmem_shared>>
      tpu.enqueue_indirect_dma source(%dma_start3A_57 : memref<16x128xf32, #tpu.memory_space<vmem>>) target(%dma_start3A_60 : memref<10000x128xf32, #tpu.memory_space<vmem_shared>>) offsets(%arg11 : memref<16xi32, #tpu.memory_space<vmem>>) semaphore(%run_scoped3A : memref<!tpu.dma_semaphore, #tpu.memory_space<semaphore_mem>>) {add = true}
      %dma_wait3A_61 = arith.constant 0 : i32
      %dma_wait3A_62 = arith.constant 0 : i32
      %dma_wait3A_63 = tpu.memref_slice %arg14[%dma_wait3A_61, %dma_wait3A_62] : memref<128x128xf32, #tpu.memory_space<vmem>> -> memref<16x128xf32, #tpu.memory_space<vmem>>
      %dma_wait3A_64 = arith.constant 0 : i32
      %dma_wait3A_65 = arith.constant 0 : i32
      %dma_wait3A_66 = tpu.memref_slice %arg15[%dma_wait3A_64, %dma_wait3A_65] : memref<10000x128xf32, #tpu.memory_space<vmem_shared>> -> memref<10000x128xf32, #tpu.memory_space<vmem_shared>>
      tpu.wait_indirect_dma semaphore(%run_scoped3A : memref<!tpu.dma_semaphore, #tpu.memory_space<semaphore_mem>>) src(%dma_wait3A_63 : memref<16x128xf32, #tpu.memory_space<vmem>>) dst(%dma_wait3A_66 : memref<10000x128xf32, #tpu.memory_space<vmem_shared>>)
      tpu.yield
    }) : () -> ()
    %barrier3A_49 = arith.constant 0 : index
    tpu.barrier barrier_id(%barrier3A_49)
    %eq3A_50 = arith.constant 0 : i32
    %eq3A_51 = arith.cmpi eq, %arg1, %eq3A_50 : i32
    %convert_element_type3A_52 = arith.extui %eq3A_51 : i1 to i32
    %cond3A_53 = arith.constant 0 : i32
    %cond3A_54 = arith.cmpi ne, %convert_element_type3A_52, %cond3A_53 : i32
    scf.if %cond3A_54 {
      %mul3A_55 = arith.constant 10000 : i32
      %mul3A_56 = arith.muli %arg0, %mul3A_55 : i32
      "tpu.region"() ({
        %run_scoped3A = tpu.sem_alloc : memref<!tpu.dma_semaphore, #tpu.memory_space<semaphore_mem>>
        %dma_start3A_57 = arith.constant 0 : i32
        %dma_start3A_58 = tpu.memref_slice %arg7[%mul3A_56, %dma_start3A_57] : memref<20000x128xf32, #tpu.memory_space<hbm>> -> memref<10000x128xf32, #tpu.memory_space<hbm>>
        tpu.enqueue_dma source(%arg15 : memref<10000x128xf32, #tpu.memory_space<vmem_shared>>) target(%dma_start3A_58 : memref<10000x128xf32, #tpu.memory_space<hbm>>) target_semaphore(%run_scoped3A : memref<!tpu.dma_semaphore, #tpu.memory_space<semaphore_mem>>)
        %dma_wait3A_59 = arith.constant 0 : i32
        %dma_wait3A_60 = tpu.memref_slice %arg7[%mul3A_56, %dma_wait3A_59] : memref<20000x128xf32, #tpu.memory_space<hbm>> -> memref<10000x128xf32, #tpu.memory_space<hbm>>
        tpu.wait_dma2 semaphore(%run_scoped3A : memref<!tpu.dma_semaphore, #tpu.memory_space<semaphore_mem>>) src(%arg15 : memref<10000x128xf32, #tpu.memory_space<vmem_shared>>) dst(%dma_wait3A_60 : memref<10000x128xf32, #tpu.memory_space<hbm>>)
        tpu.yield
      }) : () -> ()
    } else {
    }
    return
  }
}

#map = affine_map<(d0, d1) -> (0)>
#map1 = affine_map<(d0, d1) -> (0, 0)>
module attributes {stable_mosaic.version = 14 : i64} {
  func.func @k(%arg0: i32, %arg1: i32, %arg2: memref<320000xi32, #tpu.memory_space<hbm>>, %arg3: memref<320000xi32, #tpu.memory_space<hbm>>, %arg4: memref<640000xi32, #tpu.memory_space<hbm>>, %arg5: memref<20000x128xf32, #tpu.memory_space<hbm>>, %arg6: memref<10000x128xf32, #tpu.memory_space<hbm>>, %arg7: memref<20000x128xf32, #tpu.memory_space<hbm>>, %arg8: memref<40xi32, #tpu.memory_space<vmem>>, %arg9: memref<40xi32, #tpu.memory_space<vmem>>, %arg10: memref<40xi32, #tpu.memory_space<vmem>>, %arg11: memref<40x128xf32, #tpu.memory_space<vmem>>, %arg12: memref<40x128xf32, #tpu.memory_space<vmem>>, %arg13: memref<40x128xf32, #tpu.memory_space<vmem>>, %arg14: memref<10000x128xf32, #tpu.memory_space<vmem_shared>>, %arg15: memref<!tpu.dma_semaphore, #tpu.memory_space<semaphore_mem>>) attributes {dimension_semantics = [#tpu.dimension_semantics<core_parallel>, #tpu.dimension_semantics<subcore_parallel>], iteration_bounds = array<i64: 2, 16>, scalar_prefetch = 0 : i64, scratch_operands = 8 : i64, tpu.core_type = #tpu.core_type<sc_vector_subcore>, window_params = [{transform_indices = #map}, {transform_indices = #map}, {transform_indices = #map}, {transform_indices = #map1}, {transform_indices = #map1}, {transform_indices = #map1}]} {
    %eq3A = arith.constant 0 : i32
    %eq3A_0 = arith.cmpi eq, %arg1, %eq3A : i32
    %convert_element_type3A = arith.extui %eq3A_0 : i1 to i32
    %cond3A = arith.constant 0 : i32
    %cond3A_1 = arith.cmpi ne, %convert_element_type3A, %cond3A : i32
    scf.if %cond3A_1 {
      "tpu.region"() ({
        %run_scoped3A = tpu.sem_alloc : memref<!tpu.dma_semaphore, #tpu.memory_space<semaphore_mem>>
        tpu.enqueue_dma source(%arg6 : memref<10000x128xf32, #tpu.memory_space<hbm>>) target(%arg14 : memref<10000x128xf32, #tpu.memory_space<vmem_shared>>) target_semaphore(%run_scoped3A : memref<!tpu.dma_semaphore, #tpu.memory_space<semaphore_mem>>)
        tpu.wait_dma2 semaphore(%run_scoped3A : memref<!tpu.dma_semaphore, #tpu.memory_space<semaphore_mem>>) src(%arg6 : memref<10000x128xf32, #tpu.memory_space<hbm>>) dst(%arg14 : memref<10000x128xf32, #tpu.memory_space<vmem_shared>>)
        tpu.yield
      }) : () -> ()
    } else {
    }
    %scan3A = arith.constant 0 : i32
    %scan3A_2 = arith.constant 0 : i32
    %scan3A_3 = arith.constant 40 : i32
    %scan3A_4 = arith.addi %scan3A_2, %scan3A_3 : i32
    %scan3A_5 = arith.constant 1 : i32
    %scan3A_6 = scf.for %scan3A_24 = %scan3A_2 to %scan3A_4 step %scan3A_5 iter_args(%scan3A_25 = %scan3A) -> (i32)  : i32 {
      %broadcast_in_dim3A = arith.constant 0.000000e+00 : f32
      %broadcast_in_dim3A_26 = vector.broadcast %broadcast_in_dim3A : f32 to vector<16xf32>
      %swap3A = arith.index_cast %scan3A_24 : i32 to index
      %swap3A_27 = arith.constant 16 : index
      %swap3A_28 = tpu.vector_load %arg13[%swap3A, %swap3A_27] {strides = array<i32>} : memref<40x128xf32, #tpu.memory_space<vmem>>, vector<1x16xf32>,
      %swap3A_29 = vector.shape_cast %swap3A_28 : vector<1x16xf32> to vector<16xf32>
      %swap3A_30 = vector.shape_cast %broadcast_in_dim3A_26 : vector<16xf32> to vector<1x16xf32>
      tpu.vector_store %arg13[%swap3A, %swap3A_27], %swap3A_30 {strides = array<i32>} : memref<40x128xf32, #tpu.memory_space<vmem>>, vector<1x16xf32>,
      %broadcast_in_dim3A_31 = arith.constant 0.000000e+00 : f32
      %broadcast_in_dim3A_32 = vector.broadcast %broadcast_in_dim3A_31 : f32 to vector<16xf32>
      %swap3A_33 = arith.index_cast %scan3A_24 : i32 to index
      %swap3A_34 = arith.constant 32 : index
      %swap3A_35 = tpu.vector_load %arg13[%swap3A_33, %swap3A_34] {strides = array<i32>} : memref<40x128xf32, #tpu.memory_space<vmem>>, vector<1x16xf32>,
      %swap3A_36 = vector.shape_cast %swap3A_35 : vector<1x16xf32> to vector<16xf32>
      %swap3A_37 = vector.shape_cast %broadcast_in_dim3A_32 : vector<16xf32> to vector<1x16xf32>
      tpu.vector_store %arg13[%swap3A_33, %swap3A_34], %swap3A_37 {strides = array<i32>} : memref<40x128xf32, #tpu.memory_space<vmem>>, vector<1x16xf32>,
      %broadcast_in_dim3A_38 = arith.constant 0.000000e+00 : f32
      %broadcast_in_dim3A_39 = vector.broadcast %broadcast_in_dim3A_38 : f32 to vector<16xf32>
      %swap3A_40 = arith.index_cast %scan3A_24 : i32 to index
      %swap3A_41 = arith.constant 48 : index
      %swap3A_42 = tpu.vector_load %arg13[%swap3A_40, %swap3A_41] {strides = array<i32>} : memref<40x128xf32, #tpu.memory_space<vmem>>, vector<1x16xf32>,
      %swap3A_43 = vector.shape_cast %swap3A_42 : vector<1x16xf32> to vector<16xf32>
      %swap3A_44 = vector.shape_cast %broadcast_in_dim3A_39 : vector<16xf32> to vector<1x16xf32>
      tpu.vector_store %arg13[%swap3A_40, %swap3A_41], %swap3A_44 {strides = array<i32>} : memref<40x128xf32, #tpu.memory_space<vmem>>, vector<1x16xf32>,
      %broadcast_in_dim3A_45 = arith.constant 0.000000e+00 : f32
      %broadcast_in_dim3A_46 = vector.broadcast %broadcast_in_dim3A_45 : f32 to vector<16xf32>
      %swap3A_47 = arith.index_cast %scan3A_24 : i32 to index
      %swap3A_48 = arith.constant 64 : index
      %swap3A_49 = tpu.vector_load %arg13[%swap3A_47, %swap3A_48] {strides = array<i32>} : memref<40x128xf32, #tpu.memory_space<vmem>>, vector<1x16xf32>,
      %swap3A_50 = vector.shape_cast %swap3A_49 : vector<1x16xf32> to vector<16xf32>
      %swap3A_51 = vector.shape_cast %broadcast_in_dim3A_46 : vector<16xf32> to vector<1x16xf32>
      tpu.vector_store %arg13[%swap3A_47, %swap3A_48], %swap3A_51 {strides = array<i32>} : memref<40x128xf32, #tpu.memory_space<vmem>>, vector<1x16xf32>,
      %broadcast_in_dim3A_52 = arith.constant 0.000000e+00 : f32
      %broadcast_in_dim3A_53 = vector.broadcast %broadcast_in_dim3A_52 : f32 to vector<16xf32>
      %swap3A_54 = arith.index_cast %scan3A_24 : i32 to index
      %swap3A_55 = arith.constant 80 : index
      %swap3A_56 = tpu.vector_load %arg13[%swap3A_54, %swap3A_55] {strides = array<i32>} : memref<40x128xf32, #tpu.memory_space<vmem>>, vector<1x16xf32>,
      %swap3A_57 = vector.shape_cast %swap3A_56 : vector<1x16xf32> to vector<16xf32>
      %swap3A_58 = vector.shape_cast %broadcast_in_dim3A_53 : vector<16xf32> to vector<1x16xf32>
      tpu.vector_store %arg13[%swap3A_54, %swap3A_55], %swap3A_58 {strides = array<i32>} : memref<40x128xf32, #tpu.memory_space<vmem>>, vector<1x16xf32>,
      %broadcast_in_dim3A_59 = arith.constant 0.000000e+00 : f32
      %broadcast_in_dim3A_60 = vector.broadcast %broadcast_in_dim3A_59 : f32 to vector<16xf32>
      %swap3A_61 = arith.index_cast %scan3A_24 : i32 to index
      %swap3A_62 = arith.constant 96 : index
      %swap3A_63 = tpu.vector_load %arg13[%swap3A_61, %swap3A_62] {strides = array<i32>} : memref<40x128xf32, #tpu.memory_space<vmem>>, vector<1x16xf32>,
      %swap3A_64 = vector.shape_cast %swap3A_63 : vector<1x16xf32> to vector<16xf32>
      %swap3A_65 = vector.shape_cast %broadcast_in_dim3A_60 : vector<16xf32> to vector<1x16xf32>
      tpu.vector_store %arg13[%swap3A_61, %swap3A_62], %swap3A_65 {strides = array<i32>} : memref<40x128xf32, #tpu.memory_space<vmem>>, vector<1x16xf32>,
      %broadcast_in_dim3A_66 = arith.constant 0.000000e+00 : f32
      %broadcast_in_dim3A_67 = vector.broadcast %broadcast_in_dim3A_66 : f32 to vector<16xf32>
      %swap3A_68 = arith.index_cast %scan3A_24 : i32 to index
      %swap3A_69 = arith.constant 112 : index
      %swap3A_70 = tpu.vector_load %arg13[%swap3A_68, %swap3A_69] {strides = array<i32>} : memref<40x128xf32, #tpu.memory_space<vmem>>, vector<1x16xf32>,
      %swap3A_71 = vector.shape_cast %swap3A_70 : vector<1x16xf32> to vector<16xf32>
      %swap3A_72 = vector.shape_cast %broadcast_in_dim3A_67 : vector<16xf32> to vector<1x16xf32>
      tpu.vector_store %arg13[%swap3A_68, %swap3A_69], %swap3A_72 {strides = array<i32>} : memref<40x128xf32, #tpu.memory_space<vmem>>, vector<1x16xf32>,
      %scan3A_73 = arith.constant 0 : i32
      scf.yield %scan3A_73 : i32
    }
    %scan3A_7 = arith.constant 40 : i32
    %barrier3A = arith.constant 0 : index
    tpu.barrier barrier_id(%barrier3A)
    %mul3A = arith.constant 160000 : i32
    %mul3A_8 = arith.muli %arg0, %mul3A : i32
    %mul3A_9 = arith.constant 10000 : i32
    %mul3A_10 = arith.muli %arg1, %mul3A_9 : i32
    %add3A = arith.addi %mul3A_8, %mul3A_10 : i32
    %scan3A_11 = arith.constant 0 : i32
    %scan3A_12 = arith.constant 0 : i32
    %scan3A_13 = arith.constant 250 : i32
    %scan3A_14 = arith.addi %scan3A_12, %scan3A_13 : i32
    %scan3A_15 = arith.constant 1 : i32
    %scan3A_16 = scf.for %scan3A_24 = %scan3A_12 to %scan3A_14 step %scan3A_15 iter_args(%scan3A_25 = %scan3A_11) -> (i32)  : i32 {
      %mul3A_26 = arith.constant 40 : i32
      %mul3A_27 = arith.muli %scan3A_24, %mul3A_26 : i32
      %add3A_28 = arith.addi %add3A, %mul3A_27 : i32
      "tpu.region"() ({
        %run_scoped3A = tpu.sem_alloc : memref<!tpu.dma_semaphore, #tpu.memory_space<semaphore_mem>>
        %dma_start3A_49 = tpu.memref_slice %arg2[%add3A_28] : memref<320000xi32, #tpu.memory_space<hbm>> -> memref<40xi32, #tpu.memory_space<hbm>>
        %dma_start3A_50 = tpu.memref_slice %arg2[%add3A_28] : memref<320000xi32, #tpu.memory_space<hbm>> -> memref<40xi32, #tpu.memory_space<hbm>>
        tpu.enqueue_dma source(%dma_start3A_50 : memref<40xi32, #tpu.memory_space<hbm>>) target(%arg8 : memref<40xi32, #tpu.memory_space<vmem>>) target_semaphore(%run_scoped3A : memref<!tpu.dma_semaphore, #tpu.memory_space<semaphore_mem>>)
        %dma_wait3A_51 = tpu.memref_slice %arg2[%add3A_28] : memref<320000xi32, #tpu.memory_space<hbm>> -> memref<40xi32, #tpu.memory_space<hbm>>
        %dma_wait3A_52 = tpu.memref_slice %arg2[%add3A_28] : memref<320000xi32, #tpu.memory_space<hbm>> -> memref<40xi32, #tpu.memory_space<hbm>>
        tpu.wait_dma2 semaphore(%run_scoped3A : memref<!tpu.dma_semaphore, #tpu.memory_space<semaphore_mem>>) src(%dma_wait3A_52 : memref<40xi32, #tpu.memory_space<hbm>>) dst(%arg8 : memref<40xi32, #tpu.memory_space<vmem>>)
        tpu.yield
      }) : () -> ()
      %add3A_29 = arith.constant 320000 : i32
      %add3A_30 = arith.addi %add3A_29, %add3A_28 : i32
      "tpu.region"() ({
        %run_scoped3A = tpu.sem_alloc : memref<!tpu.dma_semaphore, #tpu.memory_space<semaphore_mem>>
        %dma_start3A_49 = tpu.memref_slice %arg4[%add3A_30] : memref<640000xi32, #tpu.memory_space<hbm>> -> memref<40xi32, #tpu.memory_space<hbm>>
        %dma_start3A_50 = tpu.memref_slice %arg4[%add3A_30] : memref<640000xi32, #tpu.memory_space<hbm>> -> memref<40xi32, #tpu.memory_space<hbm>>
        tpu.enqueue_dma source(%dma_start3A_50 : memref<40xi32, #tpu.memory_space<hbm>>) target(%arg9 : memref<40xi32, #tpu.memory_space<vmem>>) target_semaphore(%run_scoped3A : memref<!tpu.dma_semaphore, #tpu.memory_space<semaphore_mem>>)
        %dma_wait3A_51 = tpu.memref_slice %arg4[%add3A_30] : memref<640000xi32, #tpu.memory_space<hbm>> -> memref<40xi32, #tpu.memory_space<hbm>>
        %dma_wait3A_52 = tpu.memref_slice %arg4[%add3A_30] : memref<640000xi32, #tpu.memory_space<hbm>> -> memref<40xi32, #tpu.memory_space<hbm>>
        tpu.wait_dma2 semaphore(%run_scoped3A : memref<!tpu.dma_semaphore, #tpu.memory_space<semaphore_mem>>) src(%dma_wait3A_52 : memref<40xi32, #tpu.memory_space<hbm>>) dst(%arg9 : memref<40xi32, #tpu.memory_space<vmem>>)
        tpu.yield
      }) : () -> ()
      "tpu.region"() ({
        %run_scoped3A = tpu.sem_alloc : memref<!tpu.dma_semaphore, #tpu.memory_space<semaphore_mem>>
        %dma_start3A_49 = tpu.memref_slice %arg3[%add3A_28] : memref<320000xi32, #tpu.memory_space<hbm>> -> memref<40xi32, #tpu.memory_space<hbm>>
        %dma_start3A_50 = tpu.memref_slice %arg3[%add3A_28] : memref<320000xi32, #tpu.memory_space<hbm>> -> memref<40xi32, #tpu.memory_space<hbm>>
        tpu.enqueue_dma source(%dma_start3A_50 : memref<40xi32, #tpu.memory_space<hbm>>) target(%arg10 : memref<40xi32, #tpu.memory_space<vmem>>) target_semaphore(%run_scoped3A : memref<!tpu.dma_semaphore, #tpu.memory_space<semaphore_mem>>)
        %dma_wait3A_51 = tpu.memref_slice %arg3[%add3A_28] : memref<320000xi32, #tpu.memory_space<hbm>> -> memref<40xi32, #tpu.memory_space<hbm>>
        %dma_wait3A_52 = tpu.memref_slice %arg3[%add3A_28] : memref<320000xi32, #tpu.memory_space<hbm>> -> memref<40xi32, #tpu.memory_space<hbm>>
        tpu.wait_dma2 semaphore(%run_scoped3A : memref<!tpu.dma_semaphore, #tpu.memory_space<semaphore_mem>>) src(%dma_wait3A_52 : memref<40xi32, #tpu.memory_space<hbm>>) dst(%arg10 : memref<40xi32, #tpu.memory_space<vmem>>)
        tpu.yield
      }) : () -> ()
      %dma_start3A = arith.constant 0 : i32
      %dma_start3A_31 = arith.constant 0 : i32
      %dma_start3A_32 = tpu.memref_slice %arg5[%dma_start3A, %dma_start3A_31] : memref<20000x128xf32, #tpu.memory_space<hbm>> -> memref<20000x128xf32, #tpu.memory_space<hbm>>
      tpu.enqueue_indirect_dma source(%dma_start3A_32 : memref<20000x128xf32, #tpu.memory_space<hbm>>) target(%arg11 : memref<40x128xf32, #tpu.memory_space<vmem>>) offsets(%arg8 : memref<40xi32, #tpu.memory_space<vmem>>) semaphore(%arg15 : memref<!tpu.dma_semaphore, #tpu.memory_space<semaphore_mem>>)
      %dma_wait3A = arith.constant 0 : i32
      %dma_wait3A_33 = arith.constant 0 : i32
      %dma_wait3A_34 = tpu.memref_slice %arg5[%dma_wait3A, %dma_wait3A_33] : memref<20000x128xf32, #tpu.memory_space<hbm>> -> memref<20000x128xf32, #tpu.memory_space<hbm>>
      tpu.wait_indirect_dma semaphore(%arg15 : memref<!tpu.dma_semaphore, #tpu.memory_space<semaphore_mem>>) src(%dma_wait3A_34 : memref<20000x128xf32, #tpu.memory_space<hbm>>) dst(%arg11 : memref<40x128xf32, #tpu.memory_space<vmem>>)
      %dma_start3A_35 = arith.constant 0 : i32
      %dma_start3A_36 = arith.constant 0 : i32
      %dma_start3A_37 = tpu.memref_slice %arg5[%dma_start3A_35, %dma_start3A_36] : memref<20000x128xf32, #tpu.memory_space<hbm>> -> memref<20000x128xf32, #tpu.memory_space<hbm>>
      tpu.enqueue_indirect_dma source(%dma_start3A_37 : memref<20000x128xf32, #tpu.memory_space<hbm>>) target(%arg12 : memref<40x128xf32, #tpu.memory_space<vmem>>) offsets(%arg9 : memref<40xi32, #tpu.memory_space<vmem>>) semaphore(%arg15 : memref<!tpu.dma_semaphore, #tpu.memory_space<semaphore_mem>>)
      %dma_wait3A_38 = arith.constant 0 : i32
      %dma_wait3A_39 = arith.constant 0 : i32
      %dma_wait3A_40 = tpu.memref_slice %arg5[%dma_wait3A_38, %dma_wait3A_39] : memref<20000x128xf32, #tpu.memory_space<hbm>> -> memref<20000x128xf32, #tpu.memory_space<hbm>>
      tpu.wait_indirect_dma semaphore(%arg15 : memref<!tpu.dma_semaphore, #tpu.memory_space<semaphore_mem>>) src(%dma_wait3A_40 : memref<20000x128xf32, #tpu.memory_space<hbm>>) dst(%arg12 : memref<40x128xf32, #tpu.memory_space<vmem>>)
      %scan3A_41 = arith.constant 0 : i32
      %scan3A_42 = arith.constant 0 : i32
      %scan3A_43 = arith.constant 40 : i32
      %scan3A_44 = arith.addi %scan3A_42, %scan3A_43 : i32
      %scan3A_45 = arith.constant 1 : i32
      %scan3A_46 = scf.for %scan3A_49 = %scan3A_42 to %scan3A_44 step %scan3A_45 iter_args(%scan3A_50 = %scan3A_41) -> (i32)  : i32 {
        %get3A = arith.index_cast %scan3A_49 : i32 to index
        %get3A_51 = arith.constant 0 : index
        %get3A_52 = tpu.vector_load %arg11[%get3A, %get3A_51] {strides = array<i32>} : memref<40x128xf32, #tpu.memory_space<vmem>>, vector<1x16xf32>,
        %get3A_53 = vector.shape_cast %get3A_52 : vector<1x16xf32> to vector<16xf32>
        %get3A_54 = arith.index_cast %scan3A_49 : i32 to index
        %get3A_55 = arith.constant 0 : index
        %get3A_56 = tpu.vector_load %arg12[%get3A_54, %get3A_55] {strides = array<i32>} : memref<40x128xf32, #tpu.memory_space<vmem>>, vector<1x16xf32>,
        %get3A_57 = vector.shape_cast %get3A_56 : vector<1x16xf32> to vector<16xf32>
        %add3A_58 = arith.addf %get3A_53, %get3A_57 : vector<16xf32>
        %mul3A_59 = arith.constant 2.000000e-01 : f32
        %mul3A_60 = vector.broadcast %mul3A_59 : f32 to vector<16xf32>
        %mul3A_61 = arith.mulf %mul3A_60, %add3A_58 : vector<16xf32>
        %max3A = arith.maximumf %add3A_58, %mul3A_61 : vector<16xf32>
        %exp3A = math.exp %max3A : vector<16xf32>
        %swap3A = arith.index_cast %scan3A_49 : i32 to index
        %swap3A_62 = arith.constant 0 : index
        %swap3A_63 = tpu.vector_load %arg13[%swap3A, %swap3A_62] {strides = array<i32>} : memref<40x128xf32, #tpu.memory_space<vmem>>, vector<1x16xf32>,
        %swap3A_64 = vector.shape_cast %swap3A_63 : vector<1x16xf32> to vector<16xf32>
        %swap3A_65 = vector.shape_cast %exp3A : vector<16xf32> to vector<1x16xf32>
        tpu.vector_store %arg13[%swap3A, %swap3A_62], %swap3A_65 {strides = array<i32>} : memref<40x128xf32, #tpu.memory_space<vmem>>, vector<1x16xf32>,
        %scan3A_66 = arith.constant 0 : i32
        scf.yield %scan3A_66 : i32
      }
      %scan3A_47 = arith.constant 40 : i32
      "tpu.region"() ({
        %run_scoped3A = tpu.sem_alloc : memref<!tpu.dma_semaphore, #tpu.memory_space<semaphore_mem>>
        %dma_start3A_49 = arith.constant 0 : i32
        %dma_start3A_50 = arith.constant 0 : i32
        %dma_start3A_51 = tpu.memref_slice %arg14[%dma_start3A_49, %dma_start3A_50] : memref<10000x128xf32, #tpu.memory_space<vmem_shared>> -> memref<10000x128xf32, #tpu.memory_space<vmem_shared>>
        tpu.enqueue_indirect_dma source(%arg13 : memref<40x128xf32, #tpu.memory_space<vmem>>) target(%dma_start3A_51 : memref<10000x128xf32, #tpu.memory_space<vmem_shared>>) offsets(%arg10 : memref<40xi32, #tpu.memory_space<vmem>>) semaphore(%run_scoped3A : memref<!tpu.dma_semaphore, #tpu.memory_space<semaphore_mem>>) {add = true}
        %dma_wait3A_52 = arith.constant 0 : i32
        %dma_wait3A_53 = arith.constant 0 : i32
        %dma_wait3A_54 = tpu.memref_slice %arg14[%dma_wait3A_52, %dma_wait3A_53] : memref<10000x128xf32, #tpu.memory_space<vmem_shared>> -> memref<10000x128xf32, #tpu.memory_space<vmem_shared>>
        tpu.wait_indirect_dma semaphore(%run_scoped3A : memref<!tpu.dma_semaphore, #tpu.memory_space<semaphore_mem>>) src(%arg13 : memref<40x128xf32, #tpu.memory_space<vmem>>) dst(%dma_wait3A_54 : memref<10000x128xf32, #tpu.memory_space<vmem_shared>>)
        tpu.yield
      }) : () -> ()
      %scan3A_48 = arith.constant 0 : i32
      scf.yield %scan3A_48 : i32
    }
    %scan3A_17 = arith.constant 250 : i32
    %barrier3A_18 = arith.constant 0 : index
    tpu.barrier barrier_id(%barrier3A_18)
    %eq3A_19 = arith.constant 0 : i32
    %eq3A_20 = arith.cmpi eq, %arg1, %eq3A_19 : i32
    %convert_element_type3A_21 = arith.extui %eq3A_20 : i1 to i32
    %cond3A_22 = arith.constant 0 : i32
    %cond3A_23 = arith.cmpi ne, %convert_element_type3A_21, %cond3A_22 : i32
    scf.if %cond3A_23 {
      %mul3A_24 = arith.constant 10000 : i32
      %mul3A_25 = arith.muli %arg0, %mul3A_24 : i32
      "tpu.region"() ({
        %run_scoped3A = tpu.sem_alloc : memref<!tpu.dma_semaphore, #tpu.memory_space<semaphore_mem>>
        %dma_start3A = arith.constant 0 : i32
        %dma_start3A_26 = tpu.memref_slice %arg7[%mul3A_25, %dma_start3A] : memref<20000x128xf32, #tpu.memory_space<hbm>> -> memref<10000x128xf32, #tpu.memory_space<hbm>>
        tpu.enqueue_dma source(%arg14 : memref<10000x128xf32, #tpu.memory_space<vmem_shared>>) target(%dma_start3A_26 : memref<10000x128xf32, #tpu.memory_space<hbm>>) target_semaphore(%run_scoped3A : memref<!tpu.dma_semaphore, #tpu.memory_space<semaphore_mem>>)
        %dma_wait3A = arith.constant 0 : i32
        %dma_wait3A_27 = tpu.memref_slice %arg7[%mul3A_25, %dma_wait3A] : memref<20000x128xf32, #tpu.memory_space<hbm>> -> memref<10000x128xf32, #tpu.memory_space<hbm>>
        tpu.wait_dma2 semaphore(%run_scoped3A : memref<!tpu.dma_semaphore, #tpu.memory_space<semaphore_mem>>) src(%arg14 : memref<10000x128xf32, #tpu.memory_space<vmem_shared>>) dst(%dma_wait3A_27 : memref<10000x128xf32, #tpu.memory_space<hbm>>)
        tpu.yield
      }) : () -> ()
    } else {
    }
    return
  }
}

#map = affine_map<(d0, d1) -> (0)>
#map1 = affine_map<(d0, d1) -> (0, 0)>
module attributes {stable_mosaic.version = 14 : i64} {
  func.func @k(%arg0: i32, %arg1: i32, %arg2: memref<320000xi32, #tpu.memory_space<hbm>>, %arg3: memref<320000xi32, #tpu.memory_space<hbm>>, %arg4: memref<640000xi32, #tpu.memory_space<hbm>>, %arg5: memref<640000xi32, #tpu.memory_space<hbm>>, %arg6: memref<20000x256xf32, #tpu.memory_space<hbm>>, %arg7: memref<20000x128xf32, #tpu.memory_space<hbm>>, %arg8: memref<10000x128xf32, #tpu.memory_space<hbm>>, %arg9: memref<20000x128xf32, #tpu.memory_space<hbm>>, %arg10: memref<40xi32, #tpu.memory_space<vmem>>, %arg11: memref<40xi32, #tpu.memory_space<vmem>>, %arg12: memref<40xi32, #tpu.memory_space<vmem>>, %arg13: memref<40x256xf32, #tpu.memory_space<vmem>>, %arg14: memref<40x128xf32, #tpu.memory_space<vmem>>, %arg15: memref<40x128xf32, #tpu.memory_space<vmem>>, %arg16: memref<10000x128xf32, #tpu.memory_space<vmem_shared>>, %arg17: memref<!tpu.dma_semaphore, #tpu.memory_space<semaphore_mem>>) attributes {dimension_semantics = [#tpu.dimension_semantics<core_parallel>, #tpu.dimension_semantics<subcore_parallel>], iteration_bounds = array<i64: 2, 16>, scalar_prefetch = 0 : i64, scratch_operands = 8 : i64, tpu.core_type = #tpu.core_type<sc_vector_subcore>, window_params = [{transform_indices = #map}, {transform_indices = #map}, {transform_indices = #map}, {transform_indices = #map}, {transform_indices = #map1}, {transform_indices = #map1}, {transform_indices = #map1}, {transform_indices = #map1}]} {
    %mul3A = arith.constant 320000 : i32
    %mul3A_0 = arith.muli %arg0, %mul3A : i32
    %eq3A = arith.constant 0 : i32
    %eq3A_1 = arith.cmpi eq, %arg1, %eq3A : i32
    %convert_element_type3A = arith.extui %eq3A_1 : i1 to i32
    %cond3A = arith.constant 0 : i32
    %cond3A_2 = arith.cmpi ne, %convert_element_type3A, %cond3A : i32
    scf.if %cond3A_2 {
      "tpu.region"() ({
        %run_scoped3A = tpu.sem_alloc : memref<!tpu.dma_semaphore, #tpu.memory_space<semaphore_mem>>
        tpu.enqueue_dma source(%arg8 : memref<10000x128xf32, #tpu.memory_space<hbm>>) target(%arg16 : memref<10000x128xf32, #tpu.memory_space<vmem_shared>>) target_semaphore(%run_scoped3A : memref<!tpu.dma_semaphore, #tpu.memory_space<semaphore_mem>>)
        tpu.wait_dma2 semaphore(%run_scoped3A : memref<!tpu.dma_semaphore, #tpu.memory_space<semaphore_mem>>) src(%arg8 : memref<10000x128xf32, #tpu.memory_space<hbm>>) dst(%arg16 : memref<10000x128xf32, #tpu.memory_space<vmem_shared>>)
        tpu.yield
      }) : () -> ()
    } else {
    }
    %barrier3A = arith.constant 0 : index
    tpu.barrier barrier_id(%barrier3A)
    %mul3A_3 = arith.constant 20000 : i32
    %mul3A_4 = arith.muli %arg1, %mul3A_3 : i32
    %scan3A = arith.constant 0 : i32
    %scan3A_5 = arith.constant 0 : i32
    %scan3A_6 = arith.constant 500 : i32
    %scan3A_7 = arith.addi %scan3A_5, %scan3A_6 : i32
    %scan3A_8 = arith.constant 1 : i32
    %scan3A_9 = scf.for %scan3A_17 = %scan3A_5 to %scan3A_7 step %scan3A_8 iter_args(%scan3A_18 = %scan3A) -> (i32)  : i32 {
      %mul3A_19 = arith.constant 40 : i32
      %mul3A_20 = arith.muli %scan3A_17, %mul3A_19 : i32
      %add3A = arith.addi %mul3A_4, %mul3A_20 : i32
      %add3A_21 = arith.addi %mul3A_0, %add3A : i32
      "tpu.region"() ({
        %run_scoped3A = tpu.sem_alloc : memref<!tpu.dma_semaphore, #tpu.memory_space<semaphore_mem>>
        %dma_start3A_41 = tpu.memref_slice %arg4[%add3A_21] : memref<640000xi32, #tpu.memory_space<hbm>> -> memref<40xi32, #tpu.memory_space<hbm>>
        %dma_start3A_42 = tpu.memref_slice %arg4[%add3A_21] : memref<640000xi32, #tpu.memory_space<hbm>> -> memref<40xi32, #tpu.memory_space<hbm>>
        tpu.enqueue_dma source(%dma_start3A_42 : memref<40xi32, #tpu.memory_space<hbm>>) target(%arg10 : memref<40xi32, #tpu.memory_space<vmem>>) target_semaphore(%run_scoped3A : memref<!tpu.dma_semaphore, #tpu.memory_space<semaphore_mem>>)
        %dma_wait3A_43 = tpu.memref_slice %arg4[%add3A_21] : memref<640000xi32, #tpu.memory_space<hbm>> -> memref<40xi32, #tpu.memory_space<hbm>>
        %dma_wait3A_44 = tpu.memref_slice %arg4[%add3A_21] : memref<640000xi32, #tpu.memory_space<hbm>> -> memref<40xi32, #tpu.memory_space<hbm>>
        tpu.wait_dma2 semaphore(%run_scoped3A : memref<!tpu.dma_semaphore, #tpu.memory_space<semaphore_mem>>) src(%dma_wait3A_44 : memref<40xi32, #tpu.memory_space<hbm>>) dst(%arg10 : memref<40xi32, #tpu.memory_space<vmem>>)
        tpu.yield
      }) : () -> ()
      %add3A_22 = arith.addi %mul3A_0, %add3A : i32
      "tpu.region"() ({
        %run_scoped3A = tpu.sem_alloc : memref<!tpu.dma_semaphore, #tpu.memory_space<semaphore_mem>>
        %dma_start3A_41 = tpu.memref_slice %arg5[%add3A_22] : memref<640000xi32, #tpu.memory_space<hbm>> -> memref<40xi32, #tpu.memory_space<hbm>>
        %dma_start3A_42 = tpu.memref_slice %arg5[%add3A_22] : memref<640000xi32, #tpu.memory_space<hbm>> -> memref<40xi32, #tpu.memory_space<hbm>>
        tpu.enqueue_dma source(%dma_start3A_42 : memref<40xi32, #tpu.memory_space<hbm>>) target(%arg11 : memref<40xi32, #tpu.memory_space<vmem>>) target_semaphore(%run_scoped3A : memref<!tpu.dma_semaphore, #tpu.memory_space<semaphore_mem>>)
        %dma_wait3A_43 = tpu.memref_slice %arg5[%add3A_22] : memref<640000xi32, #tpu.memory_space<hbm>> -> memref<40xi32, #tpu.memory_space<hbm>>
        %dma_wait3A_44 = tpu.memref_slice %arg5[%add3A_22] : memref<640000xi32, #tpu.memory_space<hbm>> -> memref<40xi32, #tpu.memory_space<hbm>>
        tpu.wait_dma2 semaphore(%run_scoped3A : memref<!tpu.dma_semaphore, #tpu.memory_space<semaphore_mem>>) src(%dma_wait3A_44 : memref<40xi32, #tpu.memory_space<hbm>>) dst(%arg11 : memref<40xi32, #tpu.memory_space<vmem>>)
        tpu.yield
      }) : () -> ()
      "tpu.region"() ({
        %run_scoped3A = tpu.sem_alloc : memref<!tpu.dma_semaphore, #tpu.memory_space<semaphore_mem>>
        %dma_start3A_41 = tpu.memref_slice %arg3[%add3A] : memref<320000xi32, #tpu.memory_space<hbm>> -> memref<40xi32, #tpu.memory_space<hbm>>
        %dma_start3A_42 = tpu.memref_slice %arg3[%add3A] : memref<320000xi32, #tpu.memory_space<hbm>> -> memref<40xi32, #tpu.memory_space<hbm>>
        tpu.enqueue_dma source(%dma_start3A_42 : memref<40xi32, #tpu.memory_space<hbm>>) target(%arg12 : memref<40xi32, #tpu.memory_space<vmem>>) target_semaphore(%run_scoped3A : memref<!tpu.dma_semaphore, #tpu.memory_space<semaphore_mem>>)
        %dma_wait3A_43 = tpu.memref_slice %arg3[%add3A] : memref<320000xi32, #tpu.memory_space<hbm>> -> memref<40xi32, #tpu.memory_space<hbm>>
        %dma_wait3A_44 = tpu.memref_slice %arg3[%add3A] : memref<320000xi32, #tpu.memory_space<hbm>> -> memref<40xi32, #tpu.memory_space<hbm>>
        tpu.wait_dma2 semaphore(%run_scoped3A : memref<!tpu.dma_semaphore, #tpu.memory_space<semaphore_mem>>) src(%dma_wait3A_44 : memref<40xi32, #tpu.memory_space<hbm>>) dst(%arg12 : memref<40xi32, #tpu.memory_space<vmem>>)
        tpu.yield
      }) : () -> ()
      %dma_start3A = arith.constant 0 : i32
      %dma_start3A_23 = arith.constant 0 : i32
      %dma_start3A_24 = tpu.memref_slice %arg6[%dma_start3A, %dma_start3A_23] : memref<20000x256xf32, #tpu.memory_space<hbm>> -> memref<20000x256xf32, #tpu.memory_space<hbm>>
      tpu.enqueue_indirect_dma source(%dma_start3A_24 : memref<20000x256xf32, #tpu.memory_space<hbm>>) target(%arg13 : memref<40x256xf32, #tpu.memory_space<vmem>>) offsets(%arg10 : memref<40xi32, #tpu.memory_space<vmem>>) semaphore(%arg17 : memref<!tpu.dma_semaphore, #tpu.memory_space<semaphore_mem>>)
      %dma_wait3A = arith.constant 0 : i32
      %dma_wait3A_25 = arith.constant 0 : i32
      %dma_wait3A_26 = tpu.memref_slice %arg6[%dma_wait3A, %dma_wait3A_25] : memref<20000x256xf32, #tpu.memory_space<hbm>> -> memref<20000x256xf32, #tpu.memory_space<hbm>>
      tpu.wait_indirect_dma semaphore(%arg17 : memref<!tpu.dma_semaphore, #tpu.memory_space<semaphore_mem>>) src(%dma_wait3A_26 : memref<20000x256xf32, #tpu.memory_space<hbm>>) dst(%arg13 : memref<40x256xf32, #tpu.memory_space<vmem>>)
      %dma_start3A_27 = arith.constant 0 : i32
      %dma_start3A_28 = arith.constant 0 : i32
      %dma_start3A_29 = tpu.memref_slice %arg7[%dma_start3A_27, %dma_start3A_28] : memref<20000x128xf32, #tpu.memory_space<hbm>> -> memref<20000x128xf32, #tpu.memory_space<hbm>>
      tpu.enqueue_indirect_dma source(%dma_start3A_29 : memref<20000x128xf32, #tpu.memory_space<hbm>>) target(%arg14 : memref<40x128xf32, #tpu.memory_space<vmem>>) offsets(%arg11 : memref<40xi32, #tpu.memory_space<vmem>>) semaphore(%arg17 : memref<!tpu.dma_semaphore, #tpu.memory_space<semaphore_mem>>)
      %dma_wait3A_30 = arith.constant 0 : i32
      %dma_wait3A_31 = arith.constant 0 : i32
      %dma_wait3A_32 = tpu.memref_slice %arg7[%dma_wait3A_30, %dma_wait3A_31] : memref<20000x128xf32, #tpu.memory_space<hbm>> -> memref<20000x128xf32, #tpu.memory_space<hbm>>
      tpu.wait_indirect_dma semaphore(%arg17 : memref<!tpu.dma_semaphore, #tpu.memory_space<semaphore_mem>>) src(%dma_wait3A_32 : memref<20000x128xf32, #tpu.memory_space<hbm>>) dst(%arg14 : memref<40x128xf32, #tpu.memory_space<vmem>>)
      %scan3A_33 = arith.constant 0 : i32
      %scan3A_34 = arith.constant 0 : i32
      %scan3A_35 = arith.constant 40 : i32
      %scan3A_36 = arith.addi %scan3A_34, %scan3A_35 : i32
      %scan3A_37 = arith.constant 1 : i32
      %scan3A_38 = scf.for %scan3A_41 = %scan3A_34 to %scan3A_36 step %scan3A_37 iter_args(%scan3A_42 = %scan3A_33) -> (i32)  : i32 {
        %get3A = arith.index_cast %scan3A_41 : i32 to index
        %get3A_43 = arith.constant 128 : index
        %get3A_44 = tpu.vector_load %arg13[%get3A, %get3A_43] {strides = array<i32>} : memref<40x256xf32, #tpu.memory_space<vmem>>, vector<1x16xf32>,
        %get3A_45 = vector.shape_cast %get3A_44 : vector<1x16xf32> to vector<16xf32>
        %get3A_46 = arith.index_cast %scan3A_41 : i32 to index
        %get3A_47 = arith.constant 0 : index
        %get3A_48 = tpu.vector_load %arg14[%get3A_46, %get3A_47] {strides = array<i32>} : memref<40x128xf32, #tpu.memory_space<vmem>>, vector<1x16xf32>,
        %get3A_49 = vector.shape_cast %get3A_48 : vector<1x16xf32> to vector<16xf32>
        %add3A_50 = arith.addf %get3A_45, %get3A_49 : vector<16xf32>
        %mul3A_51 = arith.constant 2.000000e-01 : f32
        %mul3A_52 = vector.broadcast %mul3A_51 : f32 to vector<16xf32>
        %mul3A_53 = arith.mulf %mul3A_52, %add3A_50 : vector<16xf32>
        %max3A = arith.maximumf %add3A_50, %mul3A_53 : vector<16xf32>
        %exp3A = math.exp %max3A : vector<16xf32>
        %get3A_54 = arith.index_cast %scan3A_41 : i32 to index
        %get3A_55 = arith.constant 0 : index
        %get3A_56 = tpu.vector_load %arg13[%get3A_54, %get3A_55] {strides = array<i32>} : memref<40x256xf32, #tpu.memory_space<vmem>>, vector<1x16xf32>,
        %get3A_57 = vector.shape_cast %get3A_56 : vector<1x16xf32> to vector<16xf32>
        %mul3A_58 = arith.mulf %get3A_57, %exp3A : vector<16xf32>
        %swap3A = arith.index_cast %scan3A_41 : i32 to index
        %swap3A_59 = arith.constant 0 : index
        %swap3A_60 = tpu.vector_load %arg15[%swap3A, %swap3A_59] {strides = array<i32>} : memref<40x128xf32, #tpu.memory_space<vmem>>, vector<1x16xf32>,
        %swap3A_61 = vector.shape_cast %swap3A_60 : vector<1x16xf32> to vector<16xf32>
        %swap3A_62 = vector.shape_cast %mul3A_58 : vector<16xf32> to vector<1x16xf32>
        tpu.vector_store %arg15[%swap3A, %swap3A_59], %swap3A_62 {strides = array<i32>} : memref<40x128xf32, #tpu.memory_space<vmem>>, vector<1x16xf32>,
        %get3A_63 = arith.index_cast %scan3A_41 : i32 to index
        %get3A_64 = arith.constant 144 : index
        %get3A_65 = tpu.vector_load %arg13[%get3A_63, %get3A_64] {strides = array<i32>} : memref<40x256xf32, #tpu.memory_space<vmem>>, vector<1x16xf32>,
        %get3A_66 = vector.shape_cast %get3A_65 : vector<1x16xf32> to vector<16xf32>
        %get3A_67 = arith.index_cast %scan3A_41 : i32 to index
        %get3A_68 = arith.constant 16 : index
        %get3A_69 = tpu.vector_load %arg14[%get3A_67, %get3A_68] {strides = array<i32>} : memref<40x128xf32, #tpu.memory_space<vmem>>, vector<1x16xf32>,
        %get3A_70 = vector.shape_cast %get3A_69 : vector<1x16xf32> to vector<16xf32>
        %add3A_71 = arith.addf %get3A_66, %get3A_70 : vector<16xf32>
        %mul3A_72 = arith.constant 2.000000e-01 : f32
        %mul3A_73 = vector.broadcast %mul3A_72 : f32 to vector<16xf32>
        %mul3A_74 = arith.mulf %mul3A_73, %add3A_71 : vector<16xf32>
        %max3A_75 = arith.maximumf %add3A_71, %mul3A_74 : vector<16xf32>
        %exp3A_76 = math.exp %max3A_75 : vector<16xf32>
        %get3A_77 = arith.index_cast %scan3A_41 : i32 to index
        %get3A_78 = arith.constant 16 : index
        %get3A_79 = tpu.vector_load %arg13[%get3A_77, %get3A_78] {strides = array<i32>} : memref<40x256xf32, #tpu.memory_space<vmem>>, vector<1x16xf32>,
        %get3A_80 = vector.shape_cast %get3A_79 : vector<1x16xf32> to vector<16xf32>
        %mul3A_81 = arith.mulf %get3A_80, %exp3A_76 : vector<16xf32>
        %swap3A_82 = arith.index_cast %scan3A_41 : i32 to index
        %swap3A_83 = arith.constant 16 : index
        %swap3A_84 = tpu.vector_load %arg15[%swap3A_82, %swap3A_83] {strides = array<i32>} : memref<40x128xf32, #tpu.memory_space<vmem>>, vector<1x16xf32>,
        %swap3A_85 = vector.shape_cast %swap3A_84 : vector<1x16xf32> to vector<16xf32>
        %swap3A_86 = vector.shape_cast %mul3A_81 : vector<16xf32> to vector<1x16xf32>
        tpu.vector_store %arg15[%swap3A_82, %swap3A_83], %swap3A_86 {strides = array<i32>} : memref<40x128xf32, #tpu.memory_space<vmem>>, vector<1x16xf32>,
        %get3A_87 = arith.index_cast %scan3A_41 : i32 to index
        %get3A_88 = arith.constant 160 : index
        %get3A_89 = tpu.vector_load %arg13[%get3A_87, %get3A_88] {strides = array<i32>} : memref<40x256xf32, #tpu.memory_space<vmem>>, vector<1x16xf32>,
        %get3A_90 = vector.shape_cast %get3A_89 : vector<1x16xf32> to vector<16xf32>
        %get3A_91 = arith.index_cast %scan3A_41 : i32 to index
        %get3A_92 = arith.constant 32 : index
        %get3A_93 = tpu.vector_load %arg14[%get3A_91, %get3A_92] {strides = array<i32>} : memref<40x128xf32, #tpu.memory_space<vmem>>, vector<1x16xf32>,
        %get3A_94 = vector.shape_cast %get3A_93 : vector<1x16xf32> to vector<16xf32>
        %add3A_95 = arith.addf %get3A_90, %get3A_94 : vector<16xf32>
        %mul3A_96 = arith.constant 2.000000e-01 : f32
        %mul3A_97 = vector.broadcast %mul3A_96 : f32 to vector<16xf32>
        %mul3A_98 = arith.mulf %mul3A_97, %add3A_95 : vector<16xf32>
        %max3A_99 = arith.maximumf %add3A_95, %mul3A_98 : vector<16xf32>
        %exp3A_100 = math.exp %max3A_99 : vector<16xf32>
        %get3A_101 = arith.index_cast %scan3A_41 : i32 to index
        %get3A_102 = arith.constant 32 : index
        %get3A_103 = tpu.vector_load %arg13[%get3A_101, %get3A_102] {strides = array<i32>} : memref<40x256xf32, #tpu.memory_space<vmem>>, vector<1x16xf32>,
        %get3A_104 = vector.shape_cast %get3A_103 : vector<1x16xf32> to vector<16xf32>
        %mul3A_105 = arith.mulf %get3A_104, %exp3A_100 : vector<16xf32>
        %swap3A_106 = arith.index_cast %scan3A_41 : i32 to index
        %swap3A_107 = arith.constant 32 : index
        %swap3A_108 = tpu.vector_load %arg15[%swap3A_106, %swap3A_107] {strides = array<i32>} : memref<40x128xf32, #tpu.memory_space<vmem>>, vector<1x16xf32>,
        %swap3A_109 = vector.shape_cast %swap3A_108 : vector<1x16xf32> to vector<16xf32>
        %swap3A_110 = vector.shape_cast %mul3A_105 : vector<16xf32> to vector<1x16xf32>
        tpu.vector_store %arg15[%swap3A_106, %swap3A_107], %swap3A_110 {strides = array<i32>} : memref<40x128xf32, #tpu.memory_space<vmem>>, vector<1x16xf32>,
        %get3A_111 = arith.index_cast %scan3A_41 : i32 to index
        %get3A_112 = arith.constant 176 : index
        %get3A_113 = tpu.vector_load %arg13[%get3A_111, %get3A_112] {strides = array<i32>} : memref<40x256xf32, #tpu.memory_space<vmem>>, vector<1x16xf32>,
        %get3A_114 = vector.shape_cast %get3A_113 : vector<1x16xf32> to vector<16xf32>
        %get3A_115 = arith.index_cast %scan3A_41 : i32 to index
        %get3A_116 = arith.constant 48 : index
        %get3A_117 = tpu.vector_load %arg14[%get3A_115, %get3A_116] {strides = array<i32>} : memref<40x128xf32, #tpu.memory_space<vmem>>, vector<1x16xf32>,
        %get3A_118 = vector.shape_cast %get3A_117 : vector<1x16xf32> to vector<16xf32>
        %add3A_119 = arith.addf %get3A_114, %get3A_118 : vector<16xf32>
        %mul3A_120 = arith.constant 2.000000e-01 : f32
        %mul3A_121 = vector.broadcast %mul3A_120 : f32 to vector<16xf32>
        %mul3A_122 = arith.mulf %mul3A_121, %add3A_119 : vector<16xf32>
        %max3A_123 = arith.maximumf %add3A_119, %mul3A_122 : vector<16xf32>
        %exp3A_124 = math.exp %max3A_123 : vector<16xf32>
        %get3A_125 = arith.index_cast %scan3A_41 : i32 to index
        %get3A_126 = arith.constant 48 : index
        %get3A_127 = tpu.vector_load %arg13[%get3A_125, %get3A_126] {strides = array<i32>} : memref<40x256xf32, #tpu.memory_space<vmem>>, vector<1x16xf32>,
        %get3A_128 = vector.shape_cast %get3A_127 : vector<1x16xf32> to vector<16xf32>
        %mul3A_129 = arith.mulf %get3A_128, %exp3A_124 : vector<16xf32>
        %swap3A_130 = arith.index_cast %scan3A_41 : i32 to index
        %swap3A_131 = arith.constant 48 : index
        %swap3A_132 = tpu.vector_load %arg15[%swap3A_130, %swap3A_131] {strides = array<i32>} : memref<40x128xf32, #tpu.memory_space<vmem>>, vector<1x16xf32>,
        %swap3A_133 = vector.shape_cast %swap3A_132 : vector<1x16xf32> to vector<16xf32>
        %swap3A_134 = vector.shape_cast %mul3A_129 : vector<16xf32> to vector<1x16xf32>
        tpu.vector_store %arg15[%swap3A_130, %swap3A_131], %swap3A_134 {strides = array<i32>} : memref<40x128xf32, #tpu.memory_space<vmem>>, vector<1x16xf32>,
        %get3A_135 = arith.index_cast %scan3A_41 : i32 to index
        %get3A_136 = arith.constant 192 : index
        %get3A_137 = tpu.vector_load %arg13[%get3A_135, %get3A_136] {strides = array<i32>} : memref<40x256xf32, #tpu.memory_space<vmem>>, vector<1x16xf32>,
        %get3A_138 = vector.shape_cast %get3A_137 : vector<1x16xf32> to vector<16xf32>
        %get3A_139 = arith.index_cast %scan3A_41 : i32 to index
        %get3A_140 = arith.constant 64 : index
        %get3A_141 = tpu.vector_load %arg14[%get3A_139, %get3A_140] {strides = array<i32>} : memref<40x128xf32, #tpu.memory_space<vmem>>, vector<1x16xf32>,
        %get3A_142 = vector.shape_cast %get3A_141 : vector<1x16xf32> to vector<16xf32>
        %add3A_143 = arith.addf %get3A_138, %get3A_142 : vector<16xf32>
        %mul3A_144 = arith.constant 2.000000e-01 : f32
        %mul3A_145 = vector.broadcast %mul3A_144 : f32 to vector<16xf32>
        %mul3A_146 = arith.mulf %mul3A_145, %add3A_143 : vector<16xf32>
        %max3A_147 = arith.maximumf %add3A_143, %mul3A_146 : vector<16xf32>
        %exp3A_148 = math.exp %max3A_147 : vector<16xf32>
        %get3A_149 = arith.index_cast %scan3A_41 : i32 to index
        %get3A_150 = arith.constant 64 : index
        %get3A_151 = tpu.vector_load %arg13[%get3A_149, %get3A_150] {strides = array<i32>} : memref<40x256xf32, #tpu.memory_space<vmem>>, vector<1x16xf32>,
        %get3A_152 = vector.shape_cast %get3A_151 : vector<1x16xf32> to vector<16xf32>
        %mul3A_153 = arith.mulf %get3A_152, %exp3A_148 : vector<16xf32>
        %swap3A_154 = arith.index_cast %scan3A_41 : i32 to index
        %swap3A_155 = arith.constant 64 : index
        %swap3A_156 = tpu.vector_load %arg15[%swap3A_154, %swap3A_155] {strides = array<i32>} : memref<40x128xf32, #tpu.memory_space<vmem>>, vector<1x16xf32>,
        %swap3A_157 = vector.shape_cast %swap3A_156 : vector<1x16xf32> to vector<16xf32>
        %swap3A_158 = vector.shape_cast %mul3A_153 : vector<16xf32> to vector<1x16xf32>
        tpu.vector_store %arg15[%swap3A_154, %swap3A_155], %swap3A_158 {strides = array<i32>} : memref<40x128xf32, #tpu.memory_space<vmem>>, vector<1x16xf32>,
        %get3A_159 = arith.index_cast %scan3A_41 : i32 to index
        %get3A_160 = arith.constant 208 : index
        %get3A_161 = tpu.vector_load %arg13[%get3A_159, %get3A_160] {strides = array<i32>} : memref<40x256xf32, #tpu.memory_space<vmem>>, vector<1x16xf32>,
        %get3A_162 = vector.shape_cast %get3A_161 : vector<1x16xf32> to vector<16xf32>
        %get3A_163 = arith.index_cast %scan3A_41 : i32 to index
        %get3A_164 = arith.constant 80 : index
        %get3A_165 = tpu.vector_load %arg14[%get3A_163, %get3A_164] {strides = array<i32>} : memref<40x128xf32, #tpu.memory_space<vmem>>, vector<1x16xf32>,
        %get3A_166 = vector.shape_cast %get3A_165 : vector<1x16xf32> to vector<16xf32>
        %add3A_167 = arith.addf %get3A_162, %get3A_166 : vector<16xf32>
        %mul3A_168 = arith.constant 2.000000e-01 : f32
        %mul3A_169 = vector.broadcast %mul3A_168 : f32 to vector<16xf32>
        %mul3A_170 = arith.mulf %mul3A_169, %add3A_167 : vector<16xf32>
        %max3A_171 = arith.maximumf %add3A_167, %mul3A_170 : vector<16xf32>
        %exp3A_172 = math.exp %max3A_171 : vector<16xf32>
        %get3A_173 = arith.index_cast %scan3A_41 : i32 to index
        %get3A_174 = arith.constant 80 : index
        %get3A_175 = tpu.vector_load %arg13[%get3A_173, %get3A_174] {strides = array<i32>} : memref<40x256xf32, #tpu.memory_space<vmem>>, vector<1x16xf32>,
        %get3A_176 = vector.shape_cast %get3A_175 : vector<1x16xf32> to vector<16xf32>
        %mul3A_177 = arith.mulf %get3A_176, %exp3A_172 : vector<16xf32>
        %swap3A_178 = arith.index_cast %scan3A_41 : i32 to index
        %swap3A_179 = arith.constant 80 : index
        %swap3A_180 = tpu.vector_load %arg15[%swap3A_178, %swap3A_179] {strides = array<i32>} : memref<40x128xf32, #tpu.memory_space<vmem>>, vector<1x16xf32>,
        %swap3A_181 = vector.shape_cast %swap3A_180 : vector<1x16xf32> to vector<16xf32>
        %swap3A_182 = vector.shape_cast %mul3A_177 : vector<16xf32> to vector<1x16xf32>
        tpu.vector_store %arg15[%swap3A_178, %swap3A_179], %swap3A_182 {strides = array<i32>} : memref<40x128xf32, #tpu.memory_space<vmem>>, vector<1x16xf32>,
        %get3A_183 = arith.index_cast %scan3A_41 : i32 to index
        %get3A_184 = arith.constant 224 : index
        %get3A_185 = tpu.vector_load %arg13[%get3A_183, %get3A_184] {strides = array<i32>} : memref<40x256xf32, #tpu.memory_space<vmem>>, vector<1x16xf32>,
        %get3A_186 = vector.shape_cast %get3A_185 : vector<1x16xf32> to vector<16xf32>
        %get3A_187 = arith.index_cast %scan3A_41 : i32 to index
        %get3A_188 = arith.constant 96 : index
        %get3A_189 = tpu.vector_load %arg14[%get3A_187, %get3A_188] {strides = array<i32>} : memref<40x128xf32, #tpu.memory_space<vmem>>, vector<1x16xf32>,
        %get3A_190 = vector.shape_cast %get3A_189 : vector<1x16xf32> to vector<16xf32>
        %add3A_191 = arith.addf %get3A_186, %get3A_190 : vector<16xf32>
        %mul3A_192 = arith.constant 2.000000e-01 : f32
        %mul3A_193 = vector.broadcast %mul3A_192 : f32 to vector<16xf32>
        %mul3A_194 = arith.mulf %mul3A_193, %add3A_191 : vector<16xf32>
        %max3A_195 = arith.maximumf %add3A_191, %mul3A_194 : vector<16xf32>
        %exp3A_196 = math.exp %max3A_195 : vector<16xf32>
        %get3A_197 = arith.index_cast %scan3A_41 : i32 to index
        %get3A_198 = arith.constant 96 : index
        %get3A_199 = tpu.vector_load %arg13[%get3A_197, %get3A_198] {strides = array<i32>} : memref<40x256xf32, #tpu.memory_space<vmem>>, vector<1x16xf32>,
        %get3A_200 = vector.shape_cast %get3A_199 : vector<1x16xf32> to vector<16xf32>
        %mul3A_201 = arith.mulf %get3A_200, %exp3A_196 : vector<16xf32>
        %swap3A_202 = arith.index_cast %scan3A_41 : i32 to index
        %swap3A_203 = arith.constant 96 : index
        %swap3A_204 = tpu.vector_load %arg15[%swap3A_202, %swap3A_203] {strides = array<i32>} : memref<40x128xf32, #tpu.memory_space<vmem>>, vector<1x16xf32>,
        %swap3A_205 = vector.shape_cast %swap3A_204 : vector<1x16xf32> to vector<16xf32>
        %swap3A_206 = vector.shape_cast %mul3A_201 : vector<16xf32> to vector<1x16xf32>
        tpu.vector_store %arg15[%swap3A_202, %swap3A_203], %swap3A_206 {strides = array<i32>} : memref<40x128xf32, #tpu.memory_space<vmem>>, vector<1x16xf32>,
        %get3A_207 = arith.index_cast %scan3A_41 : i32 to index
        %get3A_208 = arith.constant 240 : index
        %get3A_209 = tpu.vector_load %arg13[%get3A_207, %get3A_208] {strides = array<i32>} : memref<40x256xf32, #tpu.memory_space<vmem>>, vector<1x16xf32>,
        %get3A_210 = vector.shape_cast %get3A_209 : vector<1x16xf32> to vector<16xf32>
        %get3A_211 = arith.index_cast %scan3A_41 : i32 to index
        %get3A_212 = arith.constant 112 : index
        %get3A_213 = tpu.vector_load %arg14[%get3A_211, %get3A_212] {strides = array<i32>} : memref<40x128xf32, #tpu.memory_space<vmem>>, vector<1x16xf32>,
        %get3A_214 = vector.shape_cast %get3A_213 : vector<1x16xf32> to vector<16xf32>
        %add3A_215 = arith.addf %get3A_210, %get3A_214 : vector<16xf32>
        %mul3A_216 = arith.constant 2.000000e-01 : f32
        %mul3A_217 = vector.broadcast %mul3A_216 : f32 to vector<16xf32>
        %mul3A_218 = arith.mulf %mul3A_217, %add3A_215 : vector<16xf32>
        %max3A_219 = arith.maximumf %add3A_215, %mul3A_218 : vector<16xf32>
        %exp3A_220 = math.exp %max3A_219 : vector<16xf32>
        %get3A_221 = arith.index_cast %scan3A_41 : i32 to index
        %get3A_222 = arith.constant 112 : index
        %get3A_223 = tpu.vector_load %arg13[%get3A_221, %get3A_222] {strides = array<i32>} : memref<40x256xf32, #tpu.memory_space<vmem>>, vector<1x16xf32>,
        %get3A_224 = vector.shape_cast %get3A_223 : vector<1x16xf32> to vector<16xf32>
        %mul3A_225 = arith.mulf %get3A_224, %exp3A_220 : vector<16xf32>
        %swap3A_226 = arith.index_cast %scan3A_41 : i32 to index
        %swap3A_227 = arith.constant 112 : index
        %swap3A_228 = tpu.vector_load %arg15[%swap3A_226, %swap3A_227] {strides = array<i32>} : memref<40x128xf32, #tpu.memory_space<vmem>>, vector<1x16xf32>,
        %swap3A_229 = vector.shape_cast %swap3A_228 : vector<1x16xf32> to vector<16xf32>
        %swap3A_230 = vector.shape_cast %mul3A_225 : vector<16xf32> to vector<1x16xf32>
        tpu.vector_store %arg15[%swap3A_226, %swap3A_227], %swap3A_230 {strides = array<i32>} : memref<40x128xf32, #tpu.memory_space<vmem>>, vector<1x16xf32>,
        %scan3A_231 = arith.constant 0 : i32
        scf.yield %scan3A_231 : i32
      }
      %scan3A_39 = arith.constant 40 : i32
      "tpu.region"() ({
        %run_scoped3A = tpu.sem_alloc : memref<!tpu.dma_semaphore, #tpu.memory_space<semaphore_mem>>
        %dma_start3A_41 = arith.constant 0 : i32
        %dma_start3A_42 = arith.constant 0 : i32
        %dma_start3A_43 = tpu.memref_slice %arg16[%dma_start3A_41, %dma_start3A_42] : memref<10000x128xf32, #tpu.memory_space<vmem_shared>> -> memref<10000x128xf32, #tpu.memory_space<vmem_shared>>
        tpu.enqueue_indirect_dma source(%arg15 : memref<40x128xf32, #tpu.memory_space<vmem>>) target(%dma_start3A_43 : memref<10000x128xf32, #tpu.memory_space<vmem_shared>>) offsets(%arg12 : memref<40xi32, #tpu.memory_space<vmem>>) semaphore(%run_scoped3A : memref<!tpu.dma_semaphore, #tpu.memory_space<semaphore_mem>>) {add = true}
        %dma_wait3A_44 = arith.constant 0 : i32
        %dma_wait3A_45 = arith.constant 0 : i32
        %dma_wait3A_46 = tpu.memref_slice %arg16[%dma_wait3A_44, %dma_wait3A_45] : memref<10000x128xf32, #tpu.memory_space<vmem_shared>> -> memref<10000x128xf32, #tpu.memory_space<vmem_shared>>
        tpu.wait_indirect_dma semaphore(%run_scoped3A : memref<!tpu.dma_semaphore, #tpu.memory_space<semaphore_mem>>) src(%arg15 : memref<40x128xf32, #tpu.memory_space<vmem>>) dst(%dma_wait3A_46 : memref<10000x128xf32, #tpu.memory_space<vmem_shared>>)
        tpu.yield
      }) : () -> ()
      %scan3A_40 = arith.constant 0 : i32
      scf.yield %scan3A_40 : i32
    }
    %scan3A_10 = arith.constant 500 : i32
    %barrier3A_11 = arith.constant 0 : index
    tpu.barrier barrier_id(%barrier3A_11)
    %eq3A_12 = arith.constant 0 : i32
    %eq3A_13 = arith.cmpi eq, %arg1, %eq3A_12 : i32
    %convert_element_type3A_14 = arith.extui %eq3A_13 : i1 to i32
    %cond3A_15 = arith.constant 0 : i32
    %cond3A_16 = arith.cmpi ne, %convert_element_type3A_14, %cond3A_15 : i32
    scf.if %cond3A_16 {
      %mul3A_17 = arith.constant 10000 : i32
      %mul3A_18 = arith.muli %arg0, %mul3A_17 : i32
      "tpu.region"() ({
        %run_scoped3A = tpu.sem_alloc : memref<!tpu.dma_semaphore, #tpu.memory_space<semaphore_mem>>
        %dma_start3A = arith.constant 0 : i32
        %dma_start3A_19 = tpu.memref_slice %arg9[%mul3A_18, %dma_start3A] : memref<20000x128xf32, #tpu.memory_space<hbm>> -> memref<10000x128xf32, #tpu.memory_space<hbm>>
        tpu.enqueue_dma source(%arg16 : memref<10000x128xf32, #tpu.memory_space<vmem_shared>>) target(%dma_start3A_19 : memref<10000x128xf32, #tpu.memory_space<hbm>>) target_semaphore(%run_scoped3A : memref<!tpu.dma_semaphore, #tpu.memory_space<semaphore_mem>>)
        %dma_wait3A = arith.constant 0 : i32
        %dma_wait3A_20 = tpu.memref_slice %arg9[%mul3A_18, %dma_wait3A] : memref<20000x128xf32, #tpu.memory_space<hbm>> -> memref<10000x128xf32, #tpu.memory_space<hbm>>
        tpu.wait_dma2 semaphore(%run_scoped3A : memref<!tpu.dma_semaphore, #tpu.memory_space<semaphore_mem>>) src(%arg16 : memref<10000x128xf32, #tpu.memory_space<vmem_shared>>) dst(%dma_wait3A_20 : memref<10000x128xf32, #tpu.memory_space<hbm>>)
        tpu.yield
      }) : () -> ()
    } else {
    }
    return
  }
}

module attributes {stable_mosaic.version = 14 : i64} {
  func.func @body(%arg0: i32, %arg1: i32, %arg2: memref<1000x128xf32, #tpu.memory_space<vmem>>, %arg3: memref<1x128x256xf32, #tpu.memory_space<vmem>>, %arg4: memref<1x128x128xf32, #tpu.memory_space<vmem>>, %arg5: memref<1x128x16xf32, #tpu.memory_space<vmem>>, %arg6: memref<1000x256xf32, #tpu.memory_space<vmem>>, %arg7: memref<1000x128xf32, #tpu.memory_space<vmem>>, %arg8: memref<1000x128xf32, #tpu.memory_space<vmem>>) attributes {dimension_semantics = [#tpu.dimension_semantics<arbitrary>, #tpu.dimension_semantics<arbitrary>], iteration_bounds = array<i64: 10, 2>, scalar_prefetch = 0 : i64, scratch_operands = 0 : i64, tpu.core_type = #tpu.core_type<tc>, window_params = [{transform_indices = @transform_0, window_bounds = array<i64: 1000, 128>}, {transform_indices = @transform_1, window_bounds = array<i64: 1, 128, 256>}, {transform_indices = @transform_2, window_bounds = array<i64: 1, 128, 128>}, {transform_indices = @transform_3, window_bounds = array<i64: 1, 128, 16>}, {transform_indices = @transform_4, window_bounds = array<i64: 1000, 256>}, {transform_indices = @transform_5, window_bounds = array<i64: 1000, 128>}, {transform_indices = @transform_6, window_bounds = array<i64: 1000, 128>}]} {
    %get3A = arith.constant 0 : index
    %get3A_0 = arith.constant 0 : index
    %get3A_1 = vector.load %arg2[%get3A, %get3A_0] : memref<1000x128xf32, #tpu.memory_space<vmem>>, vector<1000x128xf32>
    %get3A_2 = arith.constant 0 : index
    %get3A_3 = arith.constant 0 : index
    %get3A_4 = arith.constant 0 : index
    %get3A_5 = vector.load %arg3[%get3A_2, %get3A_3, %get3A_4] : memref<1x128x256xf32, #tpu.memory_space<vmem>>, vector<1x128x256xf32>
    %get3A_6 = vector.shape_cast %get3A_5 : vector<1x128x256xf32> to vector<128x256xf32>
    %dot_general3A = arith.constant dense<0.000000e+00> : vector<1000x256xf32>
    %dot_general3A_7 = tpu.matmul %get3A_1, %get3A_6, %dot_general3A {dimension_numbers = #tpu.dot_dimension_numbers<[1], [0], [0], [1], [0, 0, 1, 1], [], []>, transpose_lhs_hint = false} : vector<1000x128xf32>, vector<128x256xf32>, vector<1000x256xf32> -> vector<1000x256xf32>
    %swap3A = arith.constant 0 : index
    %swap3A_8 = arith.constant 0 : index
    %swap3A_9 = vector.load %arg6[%swap3A, %swap3A_8] : memref<1000x256xf32, #tpu.memory_space<vmem>>, vector<1000x256xf32>
    tpu.vector_store %arg6[%swap3A, %swap3A_8], %dot_general3A_7 {strides = array<i32>} : memref<1000x256xf32, #tpu.memory_space<vmem>>, vector<1000x256xf32>,
    %get3A_10 = arith.constant 0 : index
    %get3A_11 = arith.constant 0 : index
    %get3A_12 = arith.constant 0 : index
    %get3A_13 = vector.load %arg4[%get3A_10, %get3A_11, %get3A_12] : memref<1x128x128xf32, #tpu.memory_space<vmem>>, vector<1x128x128xf32>
    %get3A_14 = vector.shape_cast %get3A_13 : vector<1x128x128xf32> to vector<128x128xf32>
    %dot_general3A_15 = arith.constant dense<0.000000e+00> : vector<1000x128xf32>
    %dot_general3A_16 = tpu.matmul %get3A_1, %get3A_14, %dot_general3A_15 {dimension_numbers = #tpu.dot_dimension_numbers<[1], [0], [0], [1], [0, 0, 1, 1], [], []>, transpose_lhs_hint = false} : vector<1000x128xf32>, vector<128x128xf32>, vector<1000x128xf32> -> vector<1000x128xf32>
    %swap3A_17 = arith.constant 0 : index
    %swap3A_18 = arith.constant 0 : index
    %swap3A_19 = vector.load %arg7[%swap3A_17, %swap3A_18] : memref<1000x128xf32, #tpu.memory_space<vmem>>, vector<1000x128xf32>
    tpu.vector_store %arg7[%swap3A_17, %swap3A_18], %dot_general3A_16 {strides = array<i32>} : memref<1000x128xf32, #tpu.memory_space<vmem>>, vector<1000x128xf32>,
    %get3A_20 = arith.constant 0 : index
    %get3A_21 = arith.constant 0 : index
    %get3A_22 = arith.constant 0 : index
    %get3A_23 = vector.load %arg5[%get3A_20, %get3A_21, %get3A_22] : memref<1x128x16xf32, #tpu.memory_space<vmem>>, vector<1x128x16xf32>
    %get3A_24 = vector.shape_cast %get3A_23 : vector<1x128x16xf32> to vector<128x16xf32>
    %dot_general3A_25 = arith.constant dense<0.000000e+00> : vector<1000x16xf32>
    %dot_general3A_26 = tpu.matmul %get3A_1, %get3A_24, %dot_general3A_25 {dimension_numbers = #tpu.dot_dimension_numbers<[1], [0], [0], [1], [0, 0, 1, 1], [], []>, transpose_lhs_hint = false} : vector<1000x128xf32>, vector<128x16xf32>, vector<1000x16xf32> -> vector<1000x16xf32>
    %broadcast_in_dim3A = arith.constant 0.000000e+00 : f32
    %broadcast_in_dim3A_27 = vector.broadcast %broadcast_in_dim3A : f32 to vector<1000x112xf32>
    %concatenate3A = tpu.concatenate %dot_general3A_26, %broadcast_in_dim3A_27 in 1 : vector<1000x16xf32>, vector<1000x112xf32> -> vector<1000x128xf32>
    %swap3A_28 = arith.constant 0 : index
    %swap3A_29 = arith.constant 0 : index
    %swap3A_30 = vector.load %arg8[%swap3A_28, %swap3A_29] : memref<1000x128xf32, #tpu.memory_space<vmem>>, vector<1000x128xf32>
    tpu.vector_store %arg8[%swap3A_28, %swap3A_29], %concatenate3A {strides = array<i32>} : memref<1000x128xf32, #tpu.memory_space<vmem>>, vector<1000x128xf32>,
    return
  }
  func.func @transform_0(%arg0: i32, %arg1: i32) -> (i32, i32) {
    %c0_i32 = arith.constant 0 : i32
    %c0_i32_0 = arith.constant 0 : i32
    return %arg0, %c0_i32 : i32, i32
  }
  func.func @transform_1(%arg0: i32, %arg1: i32) -> (i32, i32, i32) {
    %c0_i32 = arith.constant 0 : i32
    %c0_i32_0 = arith.constant 0 : i32
    %c0_i32_1 = arith.constant 0 : i32
    return %arg1, %c0_i32, %c0_i32_0 : i32, i32, i32
  }
  func.func @transform_2(%arg0: i32, %arg1: i32) -> (i32, i32, i32) {
    %c0_i32 = arith.constant 0 : i32
    %c0_i32_0 = arith.constant 0 : i32
    %c0_i32_1 = arith.constant 0 : i32
    return %arg1, %c0_i32, %c0_i32_0 : i32, i32, i32
  }
  func.func @transform_3(%arg0: i32, %arg1: i32) -> (i32, i32, i32) {
    %c0_i32 = arith.constant 0 : i32
    %c0_i32_0 = arith.constant 0 : i32
    %c0_i32_1 = arith.constant 0 : i32
    return %arg1, %c0_i32, %c0_i32_0 : i32, i32, i32
  }
  func.func @transform_4(%arg0: i32, %arg1: i32) -> (i32, i32) {
    %mul3A = arith.constant 10 : i32
    %mul3A_0 = arith.muli %arg1, %mul3A : i32
    %add3A = arith.addi %mul3A_0, %arg0 : i32
    %c0_i32 = arith.constant 0 : i32
    %c0_i32_1 = arith.constant 0 : i32
    return %add3A, %c0_i32 : i32, i32
  }
  func.func @transform_5(%arg0: i32, %arg1: i32) -> (i32, i32) {
    %mul3A = arith.constant 10 : i32
    %mul3A_0 = arith.muli %arg1, %mul3A : i32
    %add3A = arith.addi %mul3A_0, %arg0 : i32
    %c0_i32 = arith.constant 0 : i32
    %c0_i32_1 = arith.constant 0 : i32
    return %add3A, %c0_i32 : i32, i32
  }
  func.func @transform_6(%arg0: i32, %arg1: i32) -> (i32, i32) {
    %mul3A = arith.constant 10 : i32
    %mul3A_0 = arith.muli %arg1, %mul3A : i32
    %add3A = arith.addi %mul3A_0, %arg0 : i32
    %c0_i32 = arith.constant 0 : i32
    %c0_i32_1 = arith.constant 0 : i32
    return %add3A, %c0_i32 : i32, i32
  }
}

module attributes {stable_mosaic.version = 14 : i64} {
  func.func @body(%arg0: i32, %arg1: memref<1000x128xf32, #tpu.memory_space<vmem>>, %arg2: memref<1000x128xf32, #tpu.memory_space<vmem>>, %arg3: memref<1000x128xf32, #tpu.memory_space<vmem>>, %arg4: memref<1000x128xf32, #tpu.memory_space<vmem>>, %arg5: memref<1x256xf32, #tpu.memory_space<vmem>>, %arg6: memref<256x128xf32, #tpu.memory_space<vmem>>, %arg7: memref<1000x128xf32, #tpu.memory_space<vmem>>, %arg8: memref<1000x32xf32, #tpu.memory_space<vmem>>, %arg9: memref<1000x128xf32, #tpu.memory_space<vmem>>) attributes {dimension_semantics = [#tpu.dimension_semantics<arbitrary>], iteration_bounds = array<i64: 10>, scalar_prefetch = 0 : i64, scratch_operands = 0 : i64, tpu.core_type = #tpu.core_type<tc>, window_params = [{transform_indices = @transform_0, window_bounds = array<i64: 1000, 128>}, {transform_indices = @transform_1, window_bounds = array<i64: 1000, 128>}, {transform_indices = @transform_2, window_bounds = array<i64: 1000, 128>}, {transform_indices = @transform_3, window_bounds = array<i64: 1000, 128>}, {pipeline_mode = #tpu.pipeline_mode<synchronous>, transform_indices = @transform_4, window_bounds = array<i64: 1, 256>}, {pipeline_mode = #tpu.pipeline_mode<synchronous>, transform_indices = @transform_5, window_bounds = array<i64: 256, 128>}, {transform_indices = @transform_6, window_bounds = array<i64: 1000, 128>}, {transform_indices = @transform_7, window_bounds = array<i64: 1000, 32>}, {transform_indices = @transform_8, window_bounds = array<i64: 1000, 128>}]} {
    %get3A = arith.constant 0 : index
    %get3A_0 = arith.constant 0 : index
    %get3A_1 = vector.load %arg3[%get3A, %get3A_0] : memref<1000x128xf32, #tpu.memory_space<vmem>>, vector<1000x128xf32>
    %get3A_2 = arith.constant 0 : index
    %get3A_3 = arith.constant 0 : index
    %get3A_4 = vector.load %arg4[%get3A_2, %get3A_3] : memref<1000x128xf32, #tpu.memory_space<vmem>>, vector<1000x128xf32>
    %add3A = arith.addf %get3A_1, %get3A_4 : vector<1000x128xf32>
    %get3A_5 = arith.constant 0 : index
    %get3A_6 = arith.constant 0 : index
    %get3A_7 = vector.load %arg1[%get3A_5, %get3A_6] : memref<1000x128xf32, #tpu.memory_space<vmem>>, vector<1000x128xf32>
    %slice3A = vector.extract_strided_slice %get3A_7 {offsets = [0, 0], sizes = [1000, 32], strides = [1, 1]} : vector<1000x128xf32> to vector<1000x32xf32>
    %slice3A_8 = vector.extract_strided_slice %add3A {offsets = [0, 0], sizes = [1000, 1], strides = [1, 1]} : vector<1000x128xf32> to vector<1000x1xf32>
    %add3A_9 = arith.constant 9.99999971E-10 : f32
    %add3A_10 = vector.broadcast %add3A_9 : f32 to vector<1000x1xf32>
    %add3A_11 = arith.addf %slice3A_8, %add3A_10 : vector<1000x1xf32>
    %div3A = vector.broadcast %add3A_11 : vector<1000x1xf32> to vector<1000x32xf32>
    %div3A_12 = arith.divf %slice3A, %div3A : vector<1000x32xf32>
    %slice3A_13 = vector.extract_strided_slice %get3A_7 {offsets = [0, 32], sizes = [1000, 32], strides = [1, 1]} : vector<1000x128xf32> to vector<1000x32xf32>
    %slice3A_14 = vector.extract_strided_slice %add3A {offsets = [0, 1], sizes = [1000, 1], strides = [1, 1]} : vector<1000x128xf32> to vector<1000x1xf32>
    %add3A_15 = arith.constant 9.99999971E-10 : f32
    %add3A_16 = vector.broadcast %add3A_15 : f32 to vector<1000x1xf32>
    %add3A_17 = arith.addf %slice3A_14, %add3A_16 : vector<1000x1xf32>
    %div3A_18 = vector.broadcast %add3A_17 : vector<1000x1xf32> to vector<1000x32xf32>
    %div3A_19 = arith.divf %slice3A_13, %div3A_18 : vector<1000x32xf32>
    %slice3A_20 = vector.extract_strided_slice %get3A_7 {offsets = [0, 64], sizes = [1000, 32], strides = [1, 1]} : vector<1000x128xf32> to vector<1000x32xf32>
    %slice3A_21 = vector.extract_strided_slice %add3A {offsets = [0, 2], sizes = [1000, 1], strides = [1, 1]} : vector<1000x128xf32> to vector<1000x1xf32>
    %add3A_22 = arith.constant 9.99999971E-10 : f32
    %add3A_23 = vector.broadcast %add3A_22 : f32 to vector<1000x1xf32>
    %add3A_24 = arith.addf %slice3A_21, %add3A_23 : vector<1000x1xf32>
    %div3A_25 = vector.broadcast %add3A_24 : vector<1000x1xf32> to vector<1000x32xf32>
    %div3A_26 = arith.divf %slice3A_20, %div3A_25 : vector<1000x32xf32>
    %slice3A_27 = vector.extract_strided_slice %get3A_7 {offsets = [0, 96], sizes = [1000, 32], strides = [1, 1]} : vector<1000x128xf32> to vector<1000x32xf32>
    %slice3A_28 = vector.extract_strided_slice %add3A {offsets = [0, 3], sizes = [1000, 1], strides = [1, 1]} : vector<1000x128xf32> to vector<1000x1xf32>
    %add3A_29 = arith.constant 9.99999971E-10 : f32
    %add3A_30 = vector.broadcast %add3A_29 : f32 to vector<1000x1xf32>
    %add3A_31 = arith.addf %slice3A_28, %add3A_30 : vector<1000x1xf32>
    %div3A_32 = vector.broadcast %add3A_31 : vector<1000x1xf32> to vector<1000x32xf32>
    %div3A_33 = arith.divf %slice3A_27, %div3A_32 : vector<1000x32xf32>
    %concatenate3A = tpu.concatenate %div3A_12, %div3A_19, %div3A_26, %div3A_33 in 1 : vector<1000x32xf32>, vector<1000x32xf32>, vector<1000x32xf32>, vector<1000x32xf32> -> vector<1000x128xf32>
    %get3A_34 = arith.constant 0 : index
    %get3A_35 = arith.constant 0 : index
    %get3A_36 = vector.load %arg2[%get3A_34, %get3A_35] : memref<1000x128xf32, #tpu.memory_space<vmem>>, vector<1000x128xf32>
    %slice3A_37 = vector.extract_strided_slice %get3A_36 {offsets = [0, 0], sizes = [1000, 32], strides = [1, 1]} : vector<1000x128xf32> to vector<1000x32xf32>
    %slice3A_38 = vector.extract_strided_slice %add3A {offsets = [0, 4], sizes = [1000, 1], strides = [1, 1]} : vector<1000x128xf32> to vector<1000x1xf32>
    %add3A_39 = arith.constant 9.99999971E-10 : f32
    %add3A_40 = vector.broadcast %add3A_39 : f32 to vector<1000x1xf32>
    %add3A_41 = arith.addf %slice3A_38, %add3A_40 : vector<1000x1xf32>
    %div3A_42 = vector.broadcast %add3A_41 : vector<1000x1xf32> to vector<1000x32xf32>
    %div3A_43 = arith.divf %slice3A_37, %div3A_42 : vector<1000x32xf32>
    %slice3A_44 = vector.extract_strided_slice %get3A_36 {offsets = [0, 32], sizes = [1000, 32], strides = [1, 1]} : vector<1000x128xf32> to vector<1000x32xf32>
    %slice3A_45 = vector.extract_strided_slice %add3A {offsets = [0, 5], sizes = [1000, 1], strides = [1, 1]} : vector<1000x128xf32> to vector<1000x1xf32>
    %add3A_46 = arith.constant 9.99999971E-10 : f32
    %add3A_47 = vector.broadcast %add3A_46 : f32 to vector<1000x1xf32>
    %add3A_48 = arith.addf %slice3A_45, %add3A_47 : vector<1000x1xf32>
    %div3A_49 = vector.broadcast %add3A_48 : vector<1000x1xf32> to vector<1000x32xf32>
    %div3A_50 = arith.divf %slice3A_44, %div3A_49 : vector<1000x32xf32>
    %slice3A_51 = vector.extract_strided_slice %get3A_36 {offsets = [0, 64], sizes = [1000, 32], strides = [1, 1]} : vector<1000x128xf32> to vector<1000x32xf32>
    %slice3A_52 = vector.extract_strided_slice %add3A {offsets = [0, 6], sizes = [1000, 1], strides = [1, 1]} : vector<1000x128xf32> to vector<1000x1xf32>
    %add3A_53 = arith.constant 9.99999971E-10 : f32
    %add3A_54 = vector.broadcast %add3A_53 : f32 to vector<1000x1xf32>
    %add3A_55 = arith.addf %slice3A_52, %add3A_54 : vector<1000x1xf32>
    %div3A_56 = vector.broadcast %add3A_55 : vector<1000x1xf32> to vector<1000x32xf32>
    %div3A_57 = arith.divf %slice3A_51, %div3A_56 : vector<1000x32xf32>
    %slice3A_58 = vector.extract_strided_slice %get3A_36 {offsets = [0, 96], sizes = [1000, 32], strides = [1, 1]} : vector<1000x128xf32> to vector<1000x32xf32>
    %slice3A_59 = vector.extract_strided_slice %add3A {offsets = [0, 7], sizes = [1000, 1], strides = [1, 1]} : vector<1000x128xf32> to vector<1000x1xf32>
    %add3A_60 = arith.constant 9.99999971E-10 : f32
    %add3A_61 = vector.broadcast %add3A_60 : f32 to vector<1000x1xf32>
    %add3A_62 = arith.addf %slice3A_59, %add3A_61 : vector<1000x1xf32>
    %div3A_63 = vector.broadcast %add3A_62 : vector<1000x1xf32> to vector<1000x32xf32>
    %div3A_64 = arith.divf %slice3A_58, %div3A_63 : vector<1000x32xf32>
    %concatenate3A_65 = tpu.concatenate %div3A_43, %div3A_50, %div3A_57, %div3A_64 in 1 : vector<1000x32xf32>, vector<1000x32xf32>, vector<1000x32xf32>, vector<1000x32xf32> -> vector<1000x128xf32>
    %concatenate3A_66 = tpu.concatenate %concatenate3A, %concatenate3A_65 in 1 : vector<1000x128xf32>, vector<1000x128xf32> -> vector<1000x256xf32>
    %get3A_67 = arith.constant 0 : index
    %get3A_68 = arith.constant 0 : index
    %get3A_69 = vector.load %arg5[%get3A_67, %get3A_68] : memref<1x256xf32, #tpu.memory_space<vmem>>, vector<1x256xf32>
    %add3A_70 = vector.broadcast %get3A_69 : vector<1x256xf32> to vector<1000x256xf32>
    %add3A_71 = arith.addf %concatenate3A_66, %add3A_70 : vector<1000x256xf32>
    %max3A = arith.constant 0.000000e+00 : f32
    %max3A_72 = vector.broadcast %max3A : f32 to vector<1000x256xf32>
    %max3A_73 = arith.maximumf %add3A_71, %max3A_72 : vector<1000x256xf32>
    %get3A_74 = arith.constant 0 : index
    %get3A_75 = arith.constant 0 : index
    %get3A_76 = vector.load %arg6[%get3A_74, %get3A_75] : memref<256x128xf32, #tpu.memory_space<vmem>>, vector<256x128xf32>
    %dot_general3A = arith.constant dense<0.000000e+00> : vector<1000x128xf32>
    %dot_general3A_77 = tpu.matmul %max3A_73, %get3A_76, %dot_general3A {dimension_numbers = #tpu.dot_dimension_numbers<[1], [0], [0], [1], [0, 0, 1, 1], [], []>, transpose_lhs_hint = false} : vector<1000x256xf32>, vector<256x128xf32>, vector<1000x128xf32> -> vector<1000x128xf32>
    %broadcast_in_dim3A = arith.constant 0.000000e+00 : f32
    %broadcast_in_dim3A_78 = vector.broadcast %broadcast_in_dim3A : f32 to vector<1000x64xf32>
    %slice3A_79 = vector.extract_strided_slice %dot_general3A_77 {offsets = [0, 0], sizes = [1000, 64], strides = [1, 1]} : vector<1000x128xf32> to vector<1000x64xf32>
    %concatenate3A_80 = tpu.concatenate %slice3A_79, %broadcast_in_dim3A_78 in 1 : vector<1000x64xf32>, vector<1000x64xf32> -> vector<1000x128xf32>
    %swap3A = arith.constant 0 : index
    %swap3A_81 = arith.constant 0 : index
    %swap3A_82 = vector.load %arg7[%swap3A, %swap3A_81] : memref<1000x128xf32, #tpu.memory_space<vmem>>, vector<1000x128xf32>
    tpu.vector_store %arg7[%swap3A, %swap3A_81], %concatenate3A_80 {strides = array<i32>} : memref<1000x128xf32, #tpu.memory_space<vmem>>, vector<1000x128xf32>,
    %slice3A_83 = vector.extract_strided_slice %dot_general3A_77 {offsets = [0, 64], sizes = [1000, 32], strides = [1, 1]} : vector<1000x128xf32> to vector<1000x32xf32>
    %swap3A_84 = arith.constant 0 : index
    %swap3A_85 = arith.constant 0 : index
    %swap3A_86 = vector.load %arg8[%swap3A_84, %swap3A_85] : memref<1000x32xf32, #tpu.memory_space<vmem>>, vector<1000x32xf32>
    tpu.vector_store %arg8[%swap3A_84, %swap3A_85], %slice3A_83 {strides = array<i32>} : memref<1000x32xf32, #tpu.memory_space<vmem>>, vector<1000x32xf32>,
    %slice3A_87 = vector.extract_strided_slice %dot_general3A_77 {offsets = [0, 96], sizes = [1000, 32], strides = [1, 1]} : vector<1000x128xf32> to vector<1000x32xf32>
    %broadcast_in_dim3A_88 = arith.constant 0.000000e+00 : f32
    %broadcast_in_dim3A_89 = vector.broadcast %broadcast_in_dim3A_88 : f32 to vector<1000x32xf32>
    %concatenate3A_90 = tpu.concatenate %slice3A_87, %broadcast_in_dim3A_78, %broadcast_in_dim3A_89 in 1 : vector<1000x32xf32>, vector<1000x64xf32>, vector<1000x32xf32> -> vector<1000x128xf32>
    %swap3A_91 = arith.constant 0 : index
    %swap3A_92 = arith.constant 0 : index
    %swap3A_93 = vector.load %arg9[%swap3A_91, %swap3A_92] : memref<1000x128xf32, #tpu.memory_space<vmem>>, vector<1000x128xf32>
    tpu.vector_store %arg9[%swap3A_91, %swap3A_92], %concatenate3A_90 {strides = array<i32>} : memref<1000x128xf32, #tpu.memory_space<vmem>>, vector<1000x128xf32>,
    return
  }
  func.func @transform_0(%arg0: i32) -> (i32, i32) {
    %c0_i32 = arith.constant 0 : i32
    %c0_i32_0 = arith.constant 0 : i32
    return %arg0, %c0_i32 : i32, i32
  }
  func.func @transform_1(%arg0: i32) -> (i32, i32) {
    %add3A = arith.constant 10 : i32
    %add3A_0 = arith.addi %arg0, %add3A : i32
    %c0_i32 = arith.constant 0 : i32
    %c0_i32_1 = arith.constant 0 : i32
    return %add3A_0, %c0_i32 : i32, i32
  }
  func.func @transform_2(%arg0: i32) -> (i32, i32) {
    %c0_i32 = arith.constant 0 : i32
    %c0_i32_0 = arith.constant 0 : i32
    return %arg0, %c0_i32 : i32, i32
  }
  func.func @transform_3(%arg0: i32) -> (i32, i32) {
    %add3A = arith.constant 10 : i32
    %add3A_0 = arith.addi %arg0, %add3A : i32
    %c0_i32 = arith.constant 0 : i32
    %c0_i32_1 = arith.constant 0 : i32
    return %add3A_0, %c0_i32 : i32, i32
  }
  func.func @transform_4(%arg0: i32) -> (i32, i32) {
    %c0_i32 = arith.constant 0 : i32
    %c0_i32_0 = arith.constant 0 : i32
    %c0_i32_1 = arith.constant 0 : i32
    return %c0_i32, %c0_i32_0 : i32, i32
  }
  func.func @transform_5(%arg0: i32) -> (i32, i32) {
    %c0_i32 = arith.constant 0 : i32
    %c0_i32_0 = arith.constant 0 : i32
    %c0_i32_1 = arith.constant 0 : i32
    return %c0_i32, %c0_i32_0 : i32, i32
  }
  func.func @transform_6(%arg0: i32) -> (i32, i32) {
    %c0_i32 = arith.constant 0 : i32
    %c0_i32_0 = arith.constant 0 : i32
    return %arg0, %c0_i32 : i32, i32
  }
  func.func @transform_7(%arg0: i32) -> (i32, i32) {
    %c0_i32 = arith.constant 0 : i32
    %c0_i32_0 = arith.constant 0 : i32
    return %arg0, %c0_i32 : i32, i32
  }
  func.func @transform_8(%arg0: i32) -> (i32, i32) {
    %c0_i32 = arith.constant 0 : i32
    %c0_i32_0 = arith.constant 0 : i32
    return %arg0, %c0_i32 : i32, i32
  }
}

module attributes {stable_mosaic.version = 14 : i64} {
  func.func @body(%arg0: i32, %arg1: memref<1000x128xf32, #tpu.memory_space<vmem>>, %arg2: memref<1000x128xf32, #tpu.memory_space<vmem>>, %arg3: memref<1000x32xf32, #tpu.memory_space<vmem>>, %arg4: memref<1x32xf32, #tpu.memory_space<vmem>>, %arg5: memref<1000x32xf32, #tpu.memory_space<vmem>>) attributes {dimension_semantics = [#tpu.dimension_semantics<arbitrary>], iteration_bounds = array<i64: 10>, scalar_prefetch = 0 : i64, scratch_operands = 0 : i64, tpu.core_type = #tpu.core_type<tc>, window_params = [{transform_indices = @transform_0, window_bounds = array<i64: 1000, 128>}, {transform_indices = @transform_1, window_bounds = array<i64: 1000, 128>}, {transform_indices = @transform_2, window_bounds = array<i64: 1000, 32>}, {pipeline_mode = #tpu.pipeline_mode<synchronous>, transform_indices = @transform_3, window_bounds = array<i64: 1, 32>}, {transform_indices = @transform_4, window_bounds = array<i64: 1000, 32>}]} {
    %get3A = arith.constant 0 : index
    %get3A_0 = arith.constant 0 : index
    %get3A_1 = vector.load %arg1[%get3A, %get3A_0] : memref<1000x128xf32, #tpu.memory_space<vmem>>, vector<1000x128xf32>
    %get3A_2 = arith.constant 0 : index
    %get3A_3 = arith.constant 0 : index
    %get3A_4 = vector.load %arg2[%get3A_2, %get3A_3] : memref<1000x128xf32, #tpu.memory_space<vmem>>, vector<1000x128xf32>
    %add3A = arith.addf %get3A_1, %get3A_4 : vector<1000x128xf32>
    %slice3A = vector.extract_strided_slice %add3A {offsets = [0, 0], sizes = [1000, 32], strides = [1, 1]} : vector<1000x128xf32> to vector<1000x32xf32>
    %slice3A_5 = vector.extract_strided_slice %add3A {offsets = [0, 32], sizes = [1000, 32], strides = [1, 1]} : vector<1000x128xf32> to vector<1000x32xf32>
    %add3A_6 = arith.constant 9.99999971E-10 : f32
    %add3A_7 = vector.broadcast %add3A_6 : f32 to vector<1000x32xf32>
    %add3A_8 = arith.addf %slice3A_5, %add3A_7 : vector<1000x32xf32>
    %div3A = arith.divf %slice3A, %add3A_8 : vector<1000x32xf32>
    %get3A_9 = arith.constant 0 : index
    %get3A_10 = arith.constant 0 : index
    %get3A_11 = vector.load %arg3[%get3A_9, %get3A_10] : memref<1000x32xf32, #tpu.memory_space<vmem>>, vector<1000x32xf32>
    %add3A_12 = arith.addf %div3A, %get3A_11 : vector<1000x32xf32>
    %get3A_13 = arith.constant 0 : index
    %get3A_14 = arith.constant 0 : index
    %get3A_15 = vector.load %arg4[%get3A_13, %get3A_14] : memref<1x32xf32, #tpu.memory_space<vmem>>, vector<1x32xf32>
    %add3A_16 = vector.broadcast %get3A_15 : vector<1x32xf32> to vector<1000x32xf32>
    %add3A_17 = arith.addf %add3A_12, %add3A_16 : vector<1000x32xf32>
    %swap3A = arith.constant 0 : index
    %swap3A_18 = arith.constant 0 : index
    %swap3A_19 = vector.load %arg5[%swap3A, %swap3A_18] : memref<1000x32xf32, #tpu.memory_space<vmem>>, vector<1000x32xf32>
    tpu.vector_store %arg5[%swap3A, %swap3A_18], %add3A_17 {strides = array<i32>} : memref<1000x32xf32, #tpu.memory_space<vmem>>, vector<1000x32xf32>,
    return
  }
  func.func @transform_0(%arg0: i32) -> (i32, i32) {
    %c0_i32 = arith.constant 0 : i32
    %c0_i32_0 = arith.constant 0 : i32
    return %arg0, %c0_i32 : i32, i32
  }
  func.func @transform_1(%arg0: i32) -> (i32, i32) {
    %add3A = arith.constant 10 : i32
    %add3A_0 = arith.addi %arg0, %add3A : i32
    %c0_i32 = arith.constant 0 : i32
    %c0_i32_1 = arith.constant 0 : i32
    return %add3A_0, %c0_i32 : i32, i32
  }
  func.func @transform_2(%arg0: i32) -> (i32, i32) {
    %c0_i32 = arith.constant 0 : i32
    %c0_i32_0 = arith.constant 0 : i32
    return %arg0, %c0_i32 : i32, i32
  }
  func.func @transform_3(%arg0: i32) -> (i32, i32) {
    %c0_i32 = arith.constant 0 : i32
    %c0_i32_0 = arith.constant 0 : i32
    %c0_i32_1 = arith.constant 0 : i32
    return %c0_i32, %c0_i32_0 : i32, i32
  }
  func.func @transform_4(%arg0: i32) -> (i32, i32) {
    %c0_i32 = arith.constant 0 : i32
    %c0_i32_0 = arith.constant 0 : i32
    return %arg0, %c0_i32 : i32, i32
  }
}

</mosaic_0001>

<sc_bundles>
// kernel: kernel.11.cloned.1.call-start
scs
__scs_entry_jumppad:
0x0: {  	(pc) =	sbr.rel $0x88, $3  }
0x1: {  	(tag) =	ssettag $0x0;
	lr =	simm.s32 $0x1  }
0x2: {  	[smem:$0x3F96] =	sst lr;
	_ =	strace $0xD0000000  }
0x3: {  	_ = 	snop  }
0x4: {  	_ = 	snop  }
0x5: {  	_ = 	snop  }
0x6: {  	_ = 	snop  }
0x7: {  	_ = 	snop  }
__scs_overlays_trampoline_lowered:
0x8: {  	[smem:$0x3FA5] =	sst s0  }
0x9: {  	[smem:$0x3FA6] =	sst s1  }
0xa: {  	[smem:$0x3FA7] =	sst s2  }
0xb: {  	[smem:$0x3FA8] =	sst s3  }
0xc: {  	[smem:$0x3FA9] =	sst s4  }
0xd: {  	[smem:$0x3FAA] =	sst s5  }
0xe: {  	[smem:$0x3FAB] =	sst s6  }
0xf: {  	[smem:$0x3FAC] =	sst s7  }
0x10: {  	[smem:$0x3FAD] =	sst s8  }
0x11: {  	[smem:$0x3FAE] =	sst s9;
	s0 =	simm.s32 @!p0 $0x0  }
0x12: {  	s1 =	sld [smem:$0x3F94];
	s0 =	simm.s32 @p0 $0x1  }
0x13: {  	[smem:$0x3FAF] =	sst s0;
	s0 =	simm.s32 @!p1 $0x0  }
0x14: {  	s2 =	sld [smem:$0x3F93];
	s0 =	simm.s32 @p1 $0x1  }
0x15: {  	[smem:$0x3FB0] =	sst s0;
	s0 =	simm.s32 @!p2 $0x0  }
0x16: {  	s3 =	sld [smem:$0x3FDB];
	s0 =	simm.s32 @p2 $0x1  }
0x17: {  	s4 =	simm.s32 $0x1BF5;
	[smem:$0x3FB2] =	sst s0  }
0x18: {  	s0 =	sld [smem:$0x3F95];
	_ =	swait.ge [sflag:s4], $0x0  }
0x19: {  	s7 =	sld [smem:$0x3F96]  }
0x1a: {  	s8 =	sadd.s32 $0xFFFFE003, lr  }
0x1b: {  	s9 =	sadd.s32 $0xFFFFFEF7, lr;
	s5 =	simm.s32 $0xFFFFFFFF;
	p2 =	slt.u32 s8, $0xFFFFF086  }
0x1c: {  	p1 =	slt.u32 s9, $0xF7A;
	s5 =	simm.s32 @!p2 $0x0  }
0x1d: {  	s5 =	simm.s32 @p1 $0x1;
	p0 =	seq.s32 s7, s2  }
0x1e: {  	s7 =	smul.u32 @!p0 $0xF7A, s2;
	p2 =	seq.s32 @!p0 s5, $0x0  }
0x1f: {  	s9 =	smul.u32 $0xF7A, s1;
	s8 =	simm.s32 @!p0 $0x1BF5;
	p2 =	por !p2, p0  }
0x20: {  	[sflag:s8] =	ssyncset.s32 @!p0 $0xFFFFF086;
	s6 =	sadd.s32 @!p0 s3, s7;
	s7 =	simm.s32 @!p0 $0x108  }
0x21: {  	s3 =	sadd.s32 s3, s9;
	s6 =	sadd.s32 @!p0 $0x88, s6;
	s7 =	simm.s32 @p2 $0x1082  }
0x22: {  	[simem:s7], [sflag:s8] =	dma.local @!p0 [hbm:s6], $0xF7A  }
0x23: {  	s9 =	sor.u32 $0xD0000000, s2;
	s6 =	simm.s32 $0x108;
	_ =	swait.ge @!p0 [sflag:s8], $0x0  }
0x24: {  	s3 =	sadd.s32 $0x88, s3;
	s6 =	simm.s32 @!p1 $0x1082;
	[sflag:s4] =	ssyncset.s32 $0xFFFFF086  }
0x25: {  	[simem:s6], [sflag:s4] =	dma.local [hbm:s3], $0xF7A  }
0x26: {  	[smem:$0x3F96] =	sst s1;
	(tag) =	ssettag s2;
	_ =	strace s9  }
0x27: {  	s1 =	sld [smem:$0x3FA6]  }
0x28: {  	s2 =	sld [smem:$0x3FA7]  }
0x29: {  	s4 =	sld [smem:$0x3FA9]  }
0x2a: {  	p0 =	seq.s32 s5, $0x0;
	s5 =	sld [smem:$0x3FAA]  }
0x2b: {  	s6 =	sld [smem:$0x3FAB]  }
0x2c: {  	s7 =	sld [smem:$0x3FAC]  }
0x2d: {  	s3 =	simm.s32 $0x108;
	s8 =	sld [smem:$0x3FAD]  }
0x2e: {  	s3 =	simm.s32 @!p0 $0x1082;
	s9 =	sld [smem:$0x3FAE]  }
0x2f: {  	lr =	sadd.s32 s0, s3;
	s0 =	sld [smem:$0x3FA5]  }
0x30: {  	s3 =	sld [smem:$0x3FA8]  }
0x31: {  	[smem:$0x3FB1] =	sst s10  }
0x32: {  	s10 =	sld [smem:$0x3FAF];
	_ =	sdelay $0x3  }
0x33: {  	p0 =	seq.s32 s10, $0x1;
	s10 =	sld [smem:$0x3FB1];
	_ =	sdelay $0x3  }
0x34: {  	[smem:$0x3FB1] =	sst s10  }
0x35: {  	s10 =	sld [smem:$0x3FB0];
	_ =	sdelay $0x3  }
0x36: {  	p1 =	seq.s32 s10, $0x1;
	s10 =	sld [smem:$0x3FB1];
	_ =	sdelay $0x3  }
0x37: {  	[smem:$0x3FB1] =	sst s10  }
0x38: {  	s10 =	sld [smem:$0x3FB2]  }
0x39: {  	_ = 	snop;
	(pc) =	sbr.ind lr, $3  }
0x3a: {  	_ = 	snop  }
0x3b: {  	_ = 	snop  }
0x3c: {  	p2 =	seq.s32 s10, $0x1;
	s10 =	sld [smem:$0x3FB1]  }
0x3d: {  	_ =	shalt  }
0x3e: {  	_ =	shalt  }
0x3f: {  	_ =	shalt  }
0x40: {  	_ =	shalt  }
0x41: {  	_ =	shalt  }
0x42: {  	_ =	shalt  }
0x43: {  	_ =	shalt  }
0x44: {  	_ =	shalt  }
0x45: {  	_ =	shalt  }
0x46: {  	_ =	shalt  }
0x47: {  	_ =	shalt  }
0x48: {  	_ =	shalt  }
0x49: {  	_ =	shalt  }
0x4a: {  	_ =	shalt  }
0x4b: {  	_ =	shalt  }
0x4c: {  	_ =	shalt  }
0x4d: {  	_ =	shalt  }
0x4e: {  	_ =	shalt  }
0x4f: {  	_ =	shalt  }
0x50: {  	_ =	shalt  }
0x51: {  	_ =	shalt  }
0x52: {  	_ =	shalt  }
0x53: {  	_ =	shalt  }
0x54: {  	_ =	shalt  }
0x55: {  	_ =	shalt  }
0x56: {  	_ =	shalt  }
0x57: {  	_ =	shalt  }
0x58: {  	_ =	shalt  }
0x59: {  	_ =	shalt  }
0x5a: {  	_ =	shalt  }
0x5b: {  	_ =	shalt  }
0x5c: {  	_ =	shalt  }
0x5d: {  	_ =	shalt  }
0x5e: {  	_ =	shalt  }
0x5f: {  	_ =	shalt  }
0x60: {  	_ =	shalt  }
0x61: {  	_ =	shalt  }
0x62: {  	_ =	shalt  }
0x63: {  	_ =	shalt  }
0x64: {  	_ =	shalt  }
0x65: {  	_ =	shalt  }
0x66: {  	_ =	shalt  }
0x67: {  	_ =	shalt  }
0x68: {  	_ =	shalt  }
0x69: {  	_ =	shalt  }
0x6a: {  	_ =	shalt  }
0x6b: {  	_ =	shalt  }
0x6c: {  	_ =	shalt  }
0x6d: {  	_ =	shalt  }
0x6e: {  	_ =	shalt  }
0x6f: {  	_ =	shalt  }
0x70: {  	_ =	shalt  }
0x71: {  	_ =	shalt  }
0x72: {  	_ =	shalt  }
0x73: {  	_ =	shalt  }
0x74: {  	_ =	shalt  }
0x75: {  	_ =	shalt  }
0x76: {  	_ =	shalt  }
0x77: {  	_ =	shalt  }
0x78: {  	_ =	shalt  }
0x79: {  	_ =	shalt  }
0x7a: {  	_ =	shalt  }
0x7b: {  	_ =	shalt  }
0x7c: {  	_ =	shalt  }
0x7d: {  	_ =	shalt  }
0x7e: {  	_ =	shalt  }
0x7f: {  	_ =	shalt  }
0x80: {  	_ =	shalt  }
0x81: {  	_ =	shalt  }
0x82: {  	_ =	shalt  }
0x83: {  	_ =	shalt  }
0x84: {  	_ =	shalt  }
0x85: {  	_ =	shalt  }
0x86: {  	_ =	shalt  }
0x87: {  	_ =	shalt  }
.Lfunc_end0:
.L_simem_size_0:
called_computation.1_lowered:
.L_overlay_start_0:
0x88: {  	s2 =	sld [smem:$0x3FD9]  }
0x89: {  	s3 =	sld [smem:$0x3FFE];
	_ =	sdelay $0x1  }
0x8a: {  	s1 =	srdreg.scid  }
0x8b: {  	s0 =	sand.u32 $0x1, s1  }
0x8c: {  	s17 =	sshll.u32 s0, $0xA;
	s2 =	sadd.s32 s3, s2  }
0x8d: {  	s2 =	sadd.s32 s2, s17  }
0x8e: {  	[smem:$0x3FBD] =	sst s2  }
0x8f: {  	_ = 	snop  }
0x90: {  	s18 =	sld [smem:$0x3FD0];
	(tm) =	ssettm $0x1  }
0x91: {  	s19 =	sld [smem:$0x3FFB];
	_ =	sdelay $0x3  }
0x92: {  	_ =	strace s19  }
0x93: {  	s2 =	sld [smem:$0x3FFC];
	_ =	sdelay $0x3  }
0x94: {  	_ =	strace s2  }
0x95: {  	s2 =	sld [smem:$0x3FFD];
	_ =	sdelay $0x3  }
0x96: {  	_ =	strace s2  }
0x97: {  	_ =	strace $0x8FFFFFFF  }
0x98: {  	s20 =	sld [smem:$0x3FDB];
	_ =	sdelay $0x1  }
0x99: {  	s4 =	simm.s32 $_scs_section_size  }
0x9a: {  	s5 =	simm.s32 $_size__tile_overlayer_lowered;
	s6 =	simm.s32 $_tile_overlayer_lowered  }
0x9b: {  	s7 =	simm.s32 $0x1BFF;
	s21 =	sshll.u32 s6, $0x1;
	s4 =	sadd.s32 s4, s20  }
0x9c: {  	s22 =	simm.s32 $0x0;
	s5 =	sshll.u32 s5, $0x1;
	s6 =	sadd.s32 s21, s4  }
0x9d: {  	[timem:s22], [sflag:s7] =	dma.local [hbm:s6], s5  }
0x9e: {  	_ =	swait.ge [sflag:s7], s5  }
0x9f: {  	s5 =	ssub.s32 $0x0, s5;
	[sflag:s7] =	ssyncset.done $0x0  }
0xa0: {  	[sflag:s7] =	ssyncadd.s32 s5;
	_ =	sdelay $0x1  }
0xa1: {  	s23 =	simm.s32 $0x1B8B  }
0xa2: {  	_ =	swait.ge [sflag:s23], $0x1  }
0xa3: {  	[sflag:s23] =	ssyncset.done $0x0  }
0xa4: {  	[sflag:s23] =	ssyncadd.s32 $0xFFFFFFFF  }
0xa5: {  	s5 =	sld [smem:$0x0]  }
0xa6: {  	s6 =	sand.u32 $0xFFFFFFFE, s1  }
0xa7: {  	p0 =	sne.s32 s1, s6  }
0xa8: {  	s6 =	sshll.u32 @p0 s6, $0xE  }
0xa9: {  	s6 =	sadd.s32 @p0 $0x11B8D, s6;
	s7 =	sshll.u32 @p0 s5, $0x11  }
0xaa: {  	s6 =	sor.u32 @p0 s7, s6  }
0xab: {  	[sflag:s6] =	ssyncadd.remote.s32 @p0 $0x1;
	_ =	sdelay $0x1  }
0xac: {  	s6 =	simm.s32 @p0 $0x1B8D  }
0xad: {  	_ =	swait.eq @p0 [sflag:s6], $0x1  }
0xae: {  	[sflag:s6] =	ssyncadd.s32 @p0 $0xFFFFFFFF  }
0xaf: {  	s7 =	sshll.u32 @!p0 s1, $0xE  }
0xb0: {  	s7 =	sor.u32 @!p0 $0x4000, s7;
	s6 =	simm.s32 @!p0 $0x1B8D  }
0xb1: {  	s5 =	sshll.u32 @!p0 s5, $0x11;
	s7 =	sadd.s32 @!p0 $0x11B8D, s7;
	_ =	swait.eq @!p0 [sflag:s6], $0x1  }
0xb2: {  	s5 =	sor.u32 @!p0 s5, s7;
	[sflag:s6] =	ssyncadd.s32 @!p0 $0xFFFFFFFF  }
0xb3: {  	s25 =	simm.s32 $0x1B8E;
	s24 =	sld [smem:$0x3FFE];
	[sflag:s5] =	ssyncadd.remote.s32 @!p0 $0x1  }
0xb4: {  	s26 =	simm.s32 $execute0_lowered;
	[smem:$0x3FD2] =	sst s25  }
0xb5: {  	s6 =	sshll.u32 s26, $0x1;
	_ =	strace $0x80000049;
	[dreg:$0x1] =	wrdreg $0xFFFFFFFF  }
0xb6: {  	s28 =	simm.s32 $_size_execute0_lowered;
	s4 =	sadd.s32 s4, s6;
	[dreg:$0x0] =	wrdreg $0x0  }
0xb7: {  	s6 =	sshll.u32 s28, $0x1;
	[dreg:$0x2] =	wrdreg s4  }
0xb8: {  	[dreg:$0x3] =	wrdreg s6  }
0xb9: {  	[dreg:$0x4] =	wrdreg $0xC0  }
0xba: {  	_ =	task [dreg:s22], $0x5FFFF  }
0xbb: {  	[dreg:$0x1] =	wrdreg $0xFFFFFFFF  }
0xbc: {  	[dreg:$0x0] =	wrdreg $0x60  }
0xbd: {  	[dreg:$0x2] =	wrdreg s18  }
0xbe: {  	[dreg:$0x3] =	wrdreg s24  }
0xbf: {  	[dreg:$0x4] =	wrdreg $0x3D800  }
0xc0: {  	[dreg:$0x5] =	wrdreg $0xA  }
0xc1: {  	_ =	task.clear_ibuf [dreg:s22], $0x6FFFF;
	_ =	strace $0x90000049  }
0xc2: {  	s29 =	simm.s32 $0xA;
	_ =	strace $0x8000004B  }
0xc3: {  	_ =	swait.ge [sflag:s29], $0x1  }
0xc4: {  	[sflag:s29] =	ssyncadd.s32 $0xFFFFFFFF  }
0xc5: {  	_ =	strace $0x9000004B  }
0xc6: {  	_ =	sfence  }
0xc7: {  	s30 =	sld [smem:$0x0];
	_ =	sdelay $0x2  }
0xc8: {  	s31 =	sshll.u32 s1, $0xD;
	s1 =	sshrl.u32 s1, $0x2  }
0xc9: {  	s4 =	sand.u32 $0x4000, s31;
	s1 =	sadd.s32 s1, s30  }
0xca: {  	s0 =	sor.u32 s4, s0;
	s1 =	sshll.u32 s1, $0x11  }
0xcb: {  	s0 =	sor.u32 s1, s0  }
0xcc: {  	s0 =	sadd.s32 $0x8F2B, s0  }
0xcd: {  	[sflag:s0] =	ssyncadd.remote.s32 $0x1  }
0xce: {  	_ =	sfence.sel $0xFFFF  }
0xcf: {  	[dreg:$0x0] =	wrdreg $0xFFFFFFFF;
	(pc) =	sbr.abs _section_cstart, $3  }
0xd0: {  	[dreg:$0x1] =	wrdreg $0xFFFFFFFF  }
0xd1: {  	_ =	task.clear_ibuf [dreg:s22], $0x2FFFF;
	_ =	strace $0x9FFFFFFF  }
0xd2: {  	(tm) =	ssettm $0x7FFFFFFF  }
0xd3: {  	_ =	shalt  }
tec
execute0_lowered:
.L_overlay_start_1:
0x0: {  	(tag) =	ssettag $0x1  }
0x1: {  	s1 =	rddreg [dreg:$0x0]  }
0x2: {  	s8 =	rddreg [dreg:$0x1]  }
0x3: {  	s2 =	rddreg [dreg:$0x2]  }
0x4: {  	s0 =	rddreg [dreg:$0x3];
	s3 =	simm.s32 $0x0;
	s4 =	srdreg.scid  }
0x5: {  	s11 =	stileid.u32;
	s15 =	simm.s32 $0x28;
	s16 =	simm.s32 $0x180  }
0x6: {  	s17 =	simm.s32 $0x1;
	s18 =	simm.s32 $0x1580;
	s19 =	simm.s32 $0x2980  }
0x7: {  	[smem:$0x7FF] =	sst s3;
	s6 =	sand.u32 $0x1, s4;
	s4 =	sadd.s32 $0x3800, s8  }
0x8: {  	s5 =	sadd.s32 $0x21000, s8;
	s12 =	smul.u32 $0x2710, s11;
	s7 =	sadd.s32 $0x16D200, s8  }
0x9: {  	p0 =	sne.s32 s11, $0x0;
	s9 =	smul.u32 $0x27100, s6;
	s10 =	ssub.s32 $0x2, s6  }
0xa: {  	_ =	strace $0x8000004A;
	s6 =	sadd.s32 $0xD0E00, s8;
	s13 =	sshrl.u32 s10, $0x1  }
0xb: {  	s11 =	sshrl.u32 @!p0 s2, $0x3;
	s14 =	sadd.s32 s9, s8;
	s10 =	ssub.s32 s10, s13  }
0xc: {  	s8 =	sadd.s32 s12, s9;
	s12 =	simm.s32 $0x2;
	s13 =	simm.s32 $0x80  }
0xd: {  	v0 =	vimm.f32 $0.0e+00;
	s9 =	sadd.s32 $0x1E2600, s14;
	s10 =	smax.u32 s10, $0x1;
	s14 =	simm.s32 $0x100  }
.LBB2_1:
0xe: {  	s20 =	simm.s32 @!p0 $0x1C02  }
0xf: {  	[spmem:s11], [sflag:s20] =	dma.local @!p0 [hbm:s7], $0x27100  }
0x10: {  	s20 =	simm.s32 @!p0 $0x2  }
0x11: {  	_ =	swait.ge @!p0 [sflag:s20], $0x27100  }
0x12: {  	[sflag:s20] =	ssyncset.done @!p0 $0x0  }
0x13: {  	s21 =	simm.s32 $0x200;
	[sflag:s20] =	ssyncadd.s32 @!p0 $0xFFFD8F00;
	s20 =	simm.s32 $0x0  }
.LBB2_2:
0x14: {  	p1 =	sne.s32 s21, $0x4E00;
	[tilespmem:s20+$0x29F0] =	vst v0  }
0x15: {  	[tilespmem:s20+$0x2990] =	vst v0  }
.Ltmp0:
0x16: {  	[tilespmem:s20+$0x29A0] =	vst v0;
	(pc) =	sbr.rel @p1 .LBB2_2-.Ltmp0, $4  }
0x17: {  	[tilespmem:s20+$0x29B0] =	vst v0  }
0x18: {  	[tilespmem:s20+$0x29C0] =	vst v0  }
0x19: {  	[tilespmem:s20+$0x29D0] =	vst v0  }
0x1a: {  	[tilespmem:s20+$0x29E0] =	vst v0;
	s20 =	sshra.s32 s21, $0x2;
	s21 =	sadd.s32 $0x200, s21  }
0x1b: {  	[tilespmem:s20+$0x29F0] =	vst v0  }
0x1c: {  	[tilespmem:s20+$0x2990] =	vst v0  }
0x1d: {  	[tilespmem:s20+$0x29A0] =	vst v0  }
0x1e: {  	[tilespmem:s20+$0x29B0] =	vst v0  }
0x1f: {  	[tilespmem:s20+$0x29C0] =	vst v0  }
0x20: {  	[tilespmem:s20+$0x29D0] =	vst v0  }
0x21: {  	[tilespmem:s20+$0x29E0] =	vst v0  }
0x22: {  	s20 =	simm.s32 $0x0;
	s21 =	simm.s32 $0x0;
	[bflag:$0x0] =	sbarrier.arrive $0xFFFF  }
.LBB2_4:
0x23: {  	s22 =	smul.u32 $0x28, s21;
	_ =	sdelay $0x1  }
0x24: {  	s22 =	sadd.s32 s22, s8  }
0x25: {  	s22 =	sshrl.u32 s22, $0x3  }
0x26: {  	s23 =	sadd.s32 s1, s22  }
0x27: {  	[tilespmem:s20], [sflag:$0x2] =	stream.linear.gather [hbm4b:s23+s20], $0x28, $0x38;
	[tilespmem:$0x17600] =	vst v63  }
0x28: {  	_ =	swait.ge [sflag:s12], $0x28  }
0x29: {  	s31 =	sadd.s32 s5, s22;
	[sflag:s12] =	ssyncset.done $0x0  }
0x2a: {  	s23 =	sadd.s32 $0x9C40, s31;
	[sflag:s12] =	ssyncadd.s32 $0xFFFFFFD8  }
0x2b: {  	[tilespmem:s13], [sflag:$0x2] =	stream.linear.gather [hbm4b:s23+s20], $0x28, $0x38;
	[tilespmem:$0x17600] =	vst v63  }
0x2c: {  	_ =	swait.ge [sflag:s12], $0x28  }
0x2d: {  	[sflag:s12] =	ssyncset.done $0x0  }
0x2e: {  	s22 =	sadd.s32 s4, s22;
	[sflag:s12] =	ssyncadd.s32 $0xFFFFFFD8  }
0x2f: {  	[tilespmem:s14], [sflag:$0x2] =	stream.linear.gather [hbm4b:s22+s20], $0x28, $0x38;
	[tilespmem:$0x17600] =	vst v63  }
0x30: {  	_ =	swait.ge [sflag:s12], $0x28  }
0x31: {  	[sflag:s12] =	ssyncset.done $0x0  }
0x32: {  	[sflag:s12] =	ssyncadd.s32 $0xFFFFFFD8  }
0x33: {  	[tilespmem:s16], [sflag:$0x1] =	stream.indirect.gather [hbm4b:s6+s15], $0x80, s20, s15, $0xb8;
	[tilespmem:$0x17600] =	vst v63  }
0x34: {  	_ =	swait.ge [sflag:s17], $0x1400  }
0x35: {  	[sflag:s17] =	ssyncset.done $0x0  }
0x36: {  	[sflag:s17] =	ssyncadd.s32 $0xFFFFEC00  }
0x37: {  	[tilespmem:s18], [sflag:$0x1] =	stream.indirect.gather [hbm4b:s6+s15], $0x80, s13, s15, $0xb8;
	[tilespmem:$0x17600] =	vst v63  }
0x38: {  	_ =	swait.ge [sflag:s17], $0x1400  }
0x39: {  	[sflag:s17] =	ssyncset.done $0x0  }
0x3a: {  	s22 =	simm.s32 $0x0;
	[sflag:s17] =	ssyncadd.s32 $0xFFFFEC00  }
0x3b: {  	v1 =	vld [tilespmem:s22+$0x180]  }
0x3c: {  	v2 =	vld [tilespmem:s22+$0x1580];
	_ =	sdelay $0x4  }
0x3d: {  	v1 =	vadd.f32 v2, v1;
	_ =	sdelay $0x1  }
0x3e: {  	s23 =	simm.s32 $0x80;
	v2 =	vmul.f32 $2.000000030e-01, v1  }
0x3f: {  	v3 =	vld [tilespmem:s23+$0x180]  }
0x40: {  	v4 =	vld [tilespmem:s23+$0x1580];
	v1 =	vmax.f32 v1, v2  }
0x41: {  	s25 =	simm.s32 $0x100;
	v1 =	vmul.f32 $1.442695020e+00, v1  }
0x42: {  	v2 =	vld [tilespmem:s25+$0x180]  }
0x43: {  	(erf) = vpow2.f32 v1;
	v1 =	vld [tilespmem:s25+$0x1580];
	_ =	sdelay $0x1  }
0x44: {  	v3 =	vadd.f32 v4, v3;
	_ =	sdelay $0x1  }
0x45: {  	v4 =	vmul.f32 $2.000000030e-01, v3  }
0x46: {  	v5 =	vadd.f32 v1, v2  }
0x47: {  	v1 =	vmax.f32 v3, v4  }
0x48: {  	s24 =	simm.s32 $0x180;
	v2 =	vmul.f32 $1.442695020e+00, v1;
	v3 =	vmul.f32 $2.000000030e-01, v5  }
0x49: {  	v1 =	vld [tilespmem:s24+$0x180]  }
0x4a: {  	(erf) = vpow2.f32 v2;
	v2 =	vld [tilespmem:s24+$0x1580];
	_ =	sdelay $0x1  }
0x4b: {  	s26 =	simm.s32 $0x800;
	v4 =	vmax.f32 v5, v3;
	v3 =	vpop (erf)  }
.LBB2_5:
0x4c: {  	s28 =	sshra.s32 s26, $0x2  }
0x4d: {  	v4 =	vmul.f32 $1.442695020e+00, v4;
	[tilespmem:s22+$0x2980] =	vst v3;
	s22 =	smov.u32 s23;
	s23 =	smov.u32 s25;
	p1 =	sne.s32 s26, $0x4E00  }
.Ltmp1:
0x4e: {  	s26 =	sadd.s32 $0x200, s26;
	v3 =	vadd.f32 v2, v1;
	v1 =	vld [tilespmem:s28+$0x180];
	(pc) =	sbr.rel @p1 .LBB2_5-.Ltmp1, $3  }
0x4f: {  	s25 =	smov.u32 s24;
	s24 =	smov.u32 s28;
	v2 =	vld [tilespmem:s28+$0x1580];
	(erf) = vpow2.f32 v4  }
0x50: {  	v4 =	vmul.f32 $2.000000030e-01, v3;
	_ =	sdelay $0x1  }
0x51: {  	v4 =	vmax.f32 v3, v4;
	v3 =	vpop (erf)  }
0x52: {  	_ = 	snop  }
0x53: {  	v1 =	vadd.f32 v2, v1;
	_ =	sdelay $0x1  }
0x54: {  	v2 =	vmul.f32 $2.000000030e-01, v1;
	_ =	sdelay $0x1  }
0x55: {  	v4 =	vmul.f32 $1.442695020e+00, v4;
	v1 =	vmax.f32 v1, v2  }
0x56: {  	v1 =	vmul.f32 $1.442695020e+00, v1  }
0x57: {  	(erf) = vpow2.f32 v4  }
0x58: {  	(erf) = vpow2.f32 v1;
	_ =	sdelay $0x6  }
0x59: {  	[tilespmem:s22+$0x2980] =	vst v3;
	v1 =	vpop (erf)  }
0x5a: {  	s21 =	sadd.s32 $0x1, s21;
	[tilespmem:s23+$0x2980] =	vst v1;
	v1 =	vpop (erf)  }
0x5b: {  	p1 =	sne.s32 s21, $0xFA;
	[tilespmem:s25+$0x2980] =	vst v1;
	v1 =	vpop (erf)  }
.Ltmp2:
0x5c: {  	[tilespmem:s24+$0x2980] =	vst v1;
	(pc) =	sbr.rel @p1 .LBB2_4-.Ltmp2, $4  }
0x5d: {  	[spmem:s2] =	stream.indirect.scatter.add.f32 [tilespmem:s19], [sflag:$0x2], $0x80, s14, s15, $0xb8;
	[tilespmem:$0x17600] =	vst v63  }
0x5e: {  	_ =	swait.ge [sflag:s12], $0x1400  }
0x5f: {  	[sflag:s12] =	ssyncset.done $0x0  }
0x60: {  	[sflag:s12] =	ssyncadd.s32 $0xFFFFEC00  }
0x61: {  	[bflag:$0x0] =	sbarrier.arrive $0xFFFF;
	s20 =	simm.s32 @!p0 $0x1C02;
	s3 =	sadd.s32 $0x1, s3  }
0x62: {  	[hbm:s9], [sflag:s20] =	dma.local @!p0 [spmem:s11], $0x27100  }
0x63: {  	p1 =	sne.s32 s3, s10  }
.Ltmp3:
0x64: {  	_ = 	snop;
	(pc) =	sbr.rel @p1 .LBB2_1-.Ltmp3, $4  }
0x65: {  	s20 =	simm.s32 @!p0 $0x2  }
0x66: {  	_ =	swait.ge @!p0 [sflag:s20], $0x27100  }
0x67: {  	[sflag:s20] =	ssyncset.done @!p0 $0x0  }
0x68: {  	[sflag:s20] =	ssyncadd.s32 @!p0 $0xFFFD8F00  }
0x69: {  	_ =	sfence.sel $0x180000  }
0x6a: {  	[bflag:$0x0] =	sbarrier.arrive $0xFFFF  }
0x6b: {  	_ =	strace $0x9000004A  }
0x6c: {  	s0 =	sadd.s32 @!p0 $0x100000, s0;
	[bflag:$0x2] =	sbarrier.arrive $0xFFFF  }
0x6d: {  	[sflag:s0] =	ssyncadd.tile.s32 @!p0 $0x1;
	_ =	shalt  }
.Lfunc_end2:
_tile_overlayer_lowered:
.L_overlay_start_2:
0x6e: {  	(tag) =	ssettag $0x2  }
0x6f: {  	s0 =	rddreg [dreg:$0x0];
	s2 =	stileid.u32  }
0x70: {  	s1 =	rddreg [dreg:$0x1];
	p0 =	sne.s32 s2, $0x0  }
0x71: {  	s3 =	rddreg [dreg:$0x2];
	[bflag:$0x3] =	sbarrier.arrive $0xFFFF;
	s2 =	simm.s32 @!p0 $0x1C02  }
0x72: {  	[timem:s3], [sflag:s2] =	dma.local @!p0 [hbm:s0], s1  }
0x73: {  	s0 =	simm.s32 @!p0 $0x2  }
0x74: {  	_ =	swait.ge @!p0 [sflag:s0], s1  }
0x75: {  	s1 =	ssub.s32 @!p0 $0x0, s1;
	[sflag:s0] =	ssyncset.done @!p0 $0x0  }
0x76: {  	[sflag:s0] =	ssyncadd.s32 @!p0 s1  }
0x77: {  	[bflag:$0x3] =	sbarrier.arrive $0xFFFF  }
0x78: {  	_ =	shalt  }

// kernel: kernel.14.cloned.1.call-start
scs
__scs_entry_jumppad:
0x0: {  	(pc) =	sbr.rel $0x88, $3  }
0x1: {  	(tag) =	ssettag $0x0;
	lr =	simm.s32 $0x1  }
0x2: {  	[smem:$0x3F96] =	sst lr;
	_ =	strace $0xD0000000  }
0x3: {  	_ = 	snop  }
0x4: {  	_ = 	snop  }
0x5: {  	_ = 	snop  }
0x6: {  	_ = 	snop  }
0x7: {  	_ = 	snop  }
__scs_overlays_trampoline_lowered:
0x8: {  	[smem:$0x3FA5] =	sst s0  }
0x9: {  	[smem:$0x3FA6] =	sst s1  }
0xa: {  	[smem:$0x3FA7] =	sst s2  }
0xb: {  	[smem:$0x3FA8] =	sst s3  }
0xc: {  	[smem:$0x3FA9] =	sst s4  }
0xd: {  	[smem:$0x3FAA] =	sst s5  }
0xe: {  	[smem:$0x3FAB] =	sst s6  }
0xf: {  	[smem:$0x3FAC] =	sst s7  }
0x10: {  	[smem:$0x3FAD] =	sst s8  }
0x11: {  	[smem:$0x3FAE] =	sst s9;
	s0 =	simm.s32 @!p0 $0x0  }
0x12: {  	s1 =	sld [smem:$0x3F94];
	s0 =	simm.s32 @p0 $0x1  }
0x13: {  	[smem:$0x3FAF] =	sst s0;
	s0 =	simm.s32 @!p1 $0x0  }
0x14: {  	s2 =	sld [smem:$0x3F93];
	s0 =	simm.s32 @p1 $0x1  }
0x15: {  	[smem:$0x3FB0] =	sst s0;
	s0 =	simm.s32 @!p2 $0x0  }
0x16: {  	s3 =	sld [smem:$0x3FDB];
	s0 =	simm.s32 @p2 $0x1  }
0x17: {  	s4 =	simm.s32 $0x1BF5;
	[smem:$0x3FB2] =	sst s0  }
0x18: {  	s0 =	sld [smem:$0x3F95];
	_ =	swait.ge [sflag:s4], $0x0  }
0x19: {  	s7 =	sld [smem:$0x3F96]  }
0x1a: {  	s8 =	sadd.s32 $0xFFFFE003, lr  }
0x1b: {  	s9 =	sadd.s32 $0xFFFFFEF7, lr;
	s5 =	simm.s32 $0xFFFFFFFF;
	p2 =	slt.u32 s8, $0xFFFFF086  }
0x1c: {  	p1 =	slt.u32 s9, $0xF7A;
	s5 =	simm.s32 @!p2 $0x0  }
0x1d: {  	s5 =	simm.s32 @p1 $0x1;
	p0 =	seq.s32 s7, s2  }
0x1e: {  	s7 =	smul.u32 @!p0 $0xF7A, s2;
	p2 =	seq.s32 @!p0 s5, $0x0  }
0x1f: {  	s9 =	smul.u32 $0xF7A, s1;
	s8 =	simm.s32 @!p0 $0x1BF5;
	p2 =	por !p2, p0  }
0x20: {  	[sflag:s8] =	ssyncset.s32 @!p0 $0xFFFFF086;
	s6 =	sadd.s32 @!p0 s3, s7;
	s7 =	simm.s32 @!p0 $0x108  }
0x21: {  	s3 =	sadd.s32 s3, s9;
	s6 =	sadd.s32 @!p0 $0x88, s6;
	s7 =	simm.s32 @p2 $0x1082  }
0x22: {  	[simem:s7], [sflag:s8] =	dma.local @!p0 [hbm:s6], $0xF7A  }
0x23: {  	s9 =	sor.u32 $0xD0000000, s2;
	s6 =	simm.s32 $0x108;
	_ =	swait.ge @!p0 [sflag:s8], $0x0  }
0x24: {  	s3 =	sadd.s32 $0x88, s3;
	s6 =	simm.s32 @!p1 $0x1082;
	[sflag:s4] =	ssyncset.s32 $0xFFFFF086  }
0x25: {  	[simem:s6], [sflag:s4] =	dma.local [hbm:s3], $0xF7A  }
0x26: {  	[smem:$0x3F96] =	sst s1;
	(tag) =	ssettag s2;
	_ =	strace s9  }
0x27: {  	s1 =	sld [smem:$0x3FA6]  }
0x28: {  	s2 =	sld [smem:$0x3FA7]  }
0x29: {  	s4 =	sld [smem:$0x3FA9]  }
0x2a: {  	p0 =	seq.s32 s5, $0x0;
	s5 =	sld [smem:$0x3FAA]  }
0x2b: {  	s6 =	sld [smem:$0x3FAB]  }
0x2c: {  	s7 =	sld [smem:$0x3FAC]  }
0x2d: {  	s3 =	simm.s32 $0x108;
	s8 =	sld [smem:$0x3FAD]  }
0x2e: {  	s3 =	simm.s32 @!p0 $0x1082;
	s9 =	sld [smem:$0x3FAE]  }
0x2f: {  	lr =	sadd.s32 s0, s3;
	s0 =	sld [smem:$0x3FA5]  }
0x30: {  	s3 =	sld [smem:$0x3FA8]  }
0x31: {  	[smem:$0x3FB1] =	sst s10  }
0x32: {  	s10 =	sld [smem:$0x3FAF];
	_ =	sdelay $0x3  }
0x33: {  	p0 =	seq.s32 s10, $0x1;
	s10 =	sld [smem:$0x3FB1];
	_ =	sdelay $0x3  }
0x34: {  	[smem:$0x3FB1] =	sst s10  }
0x35: {  	s10 =	sld [smem:$0x3FB0];
	_ =	sdelay $0x3  }
0x36: {  	p1 =	seq.s32 s10, $0x1;
	s10 =	sld [smem:$0x3FB1];
	_ =	sdelay $0x3  }
0x37: {  	[smem:$0x3FB1] =	sst s10  }
0x38: {  	s10 =	sld [smem:$0x3FB2]  }
0x39: {  	_ = 	snop;
	(pc) =	sbr.ind lr, $3  }
0x3a: {  	_ = 	snop  }
0x3b: {  	_ = 	snop  }
0x3c: {  	p2 =	seq.s32 s10, $0x1;
	s10 =	sld [smem:$0x3FB1]  }
0x3d: {  	_ =	shalt  }
0x3e: {  	_ =	shalt  }
0x3f: {  	_ =	shalt  }
0x40: {  	_ =	shalt  }
0x41: {  	_ =	shalt  }
0x42: {  	_ =	shalt  }
0x43: {  	_ =	shalt  }
0x44: {  	_ =	shalt  }
0x45: {  	_ =	shalt  }
0x46: {  	_ =	shalt  }
0x47: {  	_ =	shalt  }
0x48: {  	_ =	shalt  }
0x49: {  	_ =	shalt  }
0x4a: {  	_ =	shalt  }
0x4b: {  	_ =	shalt  }
0x4c: {  	_ =	shalt  }
0x4d: {  	_ =	shalt  }
0x4e: {  	_ =	shalt  }
0x4f: {  	_ =	shalt  }
0x50: {  	_ =	shalt  }
0x51: {  	_ =	shalt  }
0x52: {  	_ =	shalt  }
0x53: {  	_ =	shalt  }
0x54: {  	_ =	shalt  }
0x55: {  	_ =	shalt  }
0x56: {  	_ =	shalt  }
0x57: {  	_ =	shalt  }
0x58: {  	_ =	shalt  }
0x59: {  	_ =	shalt  }
0x5a: {  	_ =	shalt  }
0x5b: {  	_ =	shalt  }
0x5c: {  	_ =	shalt  }
0x5d: {  	_ =	shalt  }
0x5e: {  	_ =	shalt  }
0x5f: {  	_ =	shalt  }
0x60: {  	_ =	shalt  }
0x61: {  	_ =	shalt  }
0x62: {  	_ =	shalt  }
0x63: {  	_ =	shalt  }
0x64: {  	_ =	shalt  }
0x65: {  	_ =	shalt  }
0x66: {  	_ =	shalt  }
0x67: {  	_ =	shalt  }
0x68: {  	_ =	shalt  }
0x69: {  	_ =	shalt  }
0x6a: {  	_ =	shalt  }
0x6b: {  	_ =	shalt  }
0x6c: {  	_ =	shalt  }
0x6d: {  	_ =	shalt  }
0x6e: {  	_ =	shalt  }
0x6f: {  	_ =	shalt  }
0x70: {  	_ =	shalt  }
0x71: {  	_ =	shalt  }
0x72: {  	_ =	shalt  }
0x73: {  	_ =	shalt  }
0x74: {  	_ =	shalt  }
0x75: {  	_ =	shalt  }
0x76: {  	_ =	shalt  }
0x77: {  	_ =	shalt  }
0x78: {  	_ =	shalt  }
0x79: {  	_ =	shalt  }
0x7a: {  	_ =	shalt  }
0x7b: {  	_ =	shalt  }
0x7c: {  	_ =	shalt  }
0x7d: {  	_ =	shalt  }
0x7e: {  	_ =	shalt  }
0x7f: {  	_ =	shalt  }
0x80: {  	_ =	shalt  }
0x81: {  	_ =	shalt  }
0x82: {  	_ =	shalt  }
0x83: {  	_ =	shalt  }
0x84: {  	_ =	shalt  }
0x85: {  	_ =	shalt  }
0x86: {  	_ =	shalt  }
0x87: {  	_ =	shalt  }
.Lfunc_end0:
.L_simem_size_0:
called_computation.2_lowered:
.L_overlay_start_0:
0x88: {  	s2 =	sld [smem:$0x3FD9]  }
0x89: {  	s3 =	sld [smem:$0x3FFE];
	_ =	sdelay $0x1  }
0x8a: {  	s1 =	srdreg.scid  }
0x8b: {  	s0 =	sand.u32 $0x1, s1  }
0x8c: {  	s17 =	sshll.u32 s0, $0xA;
	s2 =	sadd.s32 s3, s2  }
0x8d: {  	s2 =	sadd.s32 s2, s17  }
0x8e: {  	[smem:$0x3FBD] =	sst s2  }
0x8f: {  	_ = 	snop  }
0x90: {  	s2 =	sld [smem:$0x3FD0];
	(tm) =	ssettm $0x1  }
0x91: {  	s18 =	sld [smem:$0x3FFB];
	_ =	sdelay $0x3  }
0x92: {  	_ =	strace s18  }
0x93: {  	s3 =	sld [smem:$0x3FFC];
	_ =	sdelay $0x3  }
0x94: {  	_ =	strace s3  }
0x95: {  	s3 =	sld [smem:$0x3FFD];
	_ =	sdelay $0x3  }
0x96: {  	_ =	strace s3  }
0x97: {  	_ =	strace $0x8FFFFFFF  }
0x98: {  	s19 =	sld [smem:$0x3FDB];
	_ =	sdelay $0x1  }
0x99: {  	s4 =	simm.s32 $_scs_section_size  }
0x9a: {  	s5 =	simm.s32 $_size__tile_overlayer_lowered;
	s6 =	simm.s32 $_tile_overlayer_lowered  }
0x9b: {  	s22 =	simm.s32 $0x1BFF;
	s21 =	sshll.u32 s6, $0x1;
	s3 =	sadd.s32 s4, s19  }
0x9c: {  	s7 =	simm.s32 $0x0;
	s20 =	sshll.u32 s5, $0x1;
	s5 =	sadd.s32 s21, s3  }
0x9d: {  	[timem:s7], [sflag:s22] =	dma.local [hbm:s5], s20  }
0x9e: {  	_ =	swait.ge [sflag:s22], s20  }
0x9f: {  	s4 =	ssub.s32 $0x0, s20;
	[sflag:s22] =	ssyncset.done $0x0  }
0xa0: {  	[sflag:s22] =	ssyncadd.s32 s4;
	_ =	sdelay $0x1  }
0xa1: {  	s23 =	simm.s32 $0x1B8B  }
0xa2: {  	_ =	swait.ge [sflag:s23], $0x1  }
0xa3: {  	[sflag:s23] =	ssyncset.done $0x0  }
0xa4: {  	s25 =	simm.s32 $0x1B8E;
	s24 =	sld [smem:$0x3FFE];
	[sflag:s23] =	ssyncadd.s32 $0xFFFFFFFF  }
0xa5: {  	s26 =	simm.s32 $execute0_lowered;
	[smem:$0x3FD2] =	sst s25  }
0xa6: {  	s5 =	sshll.u32 s26, $0x1;
	_ =	strace $0x8000004C;
	[dreg:$0x1] =	wrdreg $0xFFFFFFFF  }
0xa7: {  	s28 =	simm.s32 $_size_execute0_lowered;
	s3 =	sadd.s32 s3, s5;
	[dreg:$0x0] =	wrdreg $0x0  }
0xa8: {  	s5 =	sshll.u32 s28, $0x1;
	[dreg:$0x2] =	wrdreg s3  }
0xa9: {  	[dreg:$0x3] =	wrdreg s5  }
0xaa: {  	[dreg:$0x4] =	wrdreg $0xC0  }
0xab: {  	_ =	task [dreg:s7], $0x5FFFF  }
0xac: {  	[dreg:$0x1] =	wrdreg $0xFFFFFFFF  }
0xad: {  	[dreg:$0x0] =	wrdreg $0x60  }
0xae: {  	[dreg:$0x2] =	wrdreg s2  }
0xaf: {  	[dreg:$0x3] =	wrdreg s24  }
0xb0: {  	[dreg:$0x4] =	wrdreg $0xC2000  }
0xb1: {  	[dreg:$0x5] =	wrdreg $0x9  }
0xb2: {  	_ =	task.clear_ibuf [dreg:s7], $0x6FFFF;
	_ =	strace $0x9000004C  }
0xb3: {  	s29 =	simm.s32 $0x9;
	_ =	strace $0x8000004E  }
0xb4: {  	_ =	swait.ge [sflag:s29], $0x1  }
0xb5: {  	[sflag:s29] =	ssyncadd.s32 $0xFFFFFFFF  }
0xb6: {  	_ =	strace $0x9000004E  }
0xb7: {  	_ =	sfence  }
0xb8: {  	s30 =	sld [smem:$0x0];
	_ =	sdelay $0x2  }
0xb9: {  	s31 =	sshll.u32 s1, $0xD;
	s1 =	sshrl.u32 s1, $0x2  }
0xba: {  	s3 =	sand.u32 $0x4000, s31;
	s1 =	sadd.s32 s1, s30  }
0xbb: {  	s0 =	sor.u32 s3, s0;
	s1 =	sshll.u32 s1, $0x11  }
0xbc: {  	s0 =	sor.u32 s1, s0  }
0xbd: {  	s0 =	sadd.s32 $0x8F2B, s0  }
0xbe: {  	[sflag:s0] =	ssyncadd.remote.s32 $0x1  }
0xbf: {  	_ =	sfence.sel $0xFFFF  }
0xc0: {  	[dreg:$0x0] =	wrdreg $0xFFFFFFFF;
	(pc) =	sbr.abs _section_cstart, $3  }
0xc1: {  	[dreg:$0x1] =	wrdreg $0xFFFFFFFF  }
0xc2: {  	_ =	task.clear_ibuf [dreg:s7], $0x2FFFF;
	_ =	strace $0x9FFFFFFF  }
0xc3: {  	(tm) =	ssettm $0x7FFFFFFF  }
tec
execute0_lowered:
.L_overlay_start_1:
0x0: {  	(tag) =	ssettag $0x1  }
0x1: {  	s1 =	rddreg [dreg:$0x0]  }
0x2: {  	s9 =	rddreg [dreg:$0x1]  }
0x3: {  	s2 =	rddreg [dreg:$0x2]  }
0x4: {  	s3 =	srdreg.scid;
	s0 =	rddreg [dreg:$0x3]  }
0x5: {  	s11 =	stileid.u32;
	s16 =	simm.s32 $0x200;
	s17 =	simm.s32 $0x1  }
0x6: {  	s18 =	simm.s32 $0x4200;
	s19 =	simm.s32 $0x8200;
	s20 =	simm.s32 $0x100  }
0x7: {  	s21 =	simm.s32 $0x180;
	s22 =	simm.s32 $0x10;
	s7 =	sand.u32 $0x1, s3  }
0x8: {  	s3 =	simm.s32 $0x0;
	s8 =	smul.u32 $0x2710, s11;
	s4 =	sadd.s32 $0x3800, s9  }
0x9: {  	s5 =	sadd.s32 $0xD600, s9;
	s6 =	sadd.s32 $0x34800, s9;
	s10 =	smul.u32 $0x27100, s7  }
0xa: {  	p0 =	sne.s32 s11, $0x0;
	[smem:$0x7FF] =	sst s3;
	s12 =	ssub.s32 $0x2, s7  }
0xb: {  	_ =	strace $0x8000004D;
	s13 =	sshrl.u32 s12, $0x1;
	s7 =	sadd.s32 s8, s10  }
0xc: {  	s8 =	sadd.s32 $0x16D200, s9;
	s15 =	sadd.s32 s10, s9;
	s12 =	ssub.s32 s12, s13  }
0xd: {  	s13 =	sshrl.u32 @!p0 s2, $0x3;
	s14 =	sshrl.u32 s7, $0x3;
	s11 =	sadd.s32 $0x5BA00, s15  }
0xe: {  	s12 =	smax.u32 s12, $0x1;
	s15 =	simm.s32 $0x80;
	s31 =	sadd.s32 $0x4E0, s14  }
0xf: {  	v0 =	vimm.f32 $0.0e+00;
	s14 =	simm.s32 $0x2;
	s9 =	sadd.s32 s1, s31;
	s10 =	sadd.s32 s4, s31  }
.LBB2_1:
0x10: {  	s23 =	simm.s32 @!p0 $0x1C02  }
0x11: {  	[spmem:s13], [sflag:s23] =	dma.local @!p0 [hbm:s8], $0x27100  }
0x12: {  	s23 =	simm.s32 @!p0 $0x2  }
0x13: {  	_ =	swait.ge @!p0 [sflag:s23], $0x27100  }
0x14: {  	[sflag:s23] =	ssyncset.done @!p0 $0x0  }
0x15: {  	s24 =	simm.s32 $0xFFFF0200;
	[sflag:s23] =	ssyncadd.s32 @!p0 $0xFFFD8F00;
	s23 =	simm.s32 $0xFFFFC000  }
.LBB2_2:
0x16: {  	p1 =	sne.s32 s24, $0xFFFFFE00;
	[tilespmem:s23+$0xC270] =	vst v0;
	s25 =	smov.u32 s24;
	s24 =	sadd.s32 $0x200, s24  }
.Ltmp0:
0x17: {  	[tilespmem:s23+$0xC260] =	vst v0;
	(pc) =	sbr.rel @p1 .LBB2_2-.Ltmp0, $3  }
0x18: {  	[tilespmem:s23+$0xC240] =	vst v0  }
0x19: {  	[tilespmem:s23+$0xC250] =	vst v0;
	_ =	sdelay $0x1  }
0x1a: {  	s23 =	sshra.s32 s25, $0x2  }
0x1b: {  	[tilespmem:s23+$0xC270] =	vst v0  }
0x1c: {  	[tilespmem:s23+$0xC260] =	vst v0  }
0x1d: {  	[tilespmem:s23+$0xC240] =	vst v0  }
0x1e: {  	[tilespmem:s23+$0xC250] =	vst v0  }
0x1f: {  	s23 =	simm.s32 $0x0;
	s24 =	simm.s32 $0x0;
	[bflag:$0x0] =	sbarrier.arrive $0xFFFF  }
.LBB2_4:
0x20: {  	s25 =	sshll.u32 s24, $0x7  }
0x21: {  	s25 =	sadd.s32 s7, s25  }
0x22: {  	s25 =	sshrl.u32 s25, $0x3  }
0x23: {  	s26 =	sadd.s32 s1, s25  }
0x24: {  	[tilespmem:s23], [sflag:$0x2] =	stream.linear.gather [hbm4b:s26+s23], $0x80, $0x38;
	[tilespmem:$0x1FA80] =	vst v63  }
0x25: {  	_ =	swait.ge [sflag:s14], $0x80  }
0x26: {  	[sflag:s14] =	ssyncset.done $0x0  }
0x27: {  	s25 =	sadd.s32 s4, s25;
	[sflag:s14] =	ssyncadd.s32 $0xFFFFFF80  }
0x28: {  	[tilespmem:s15], [sflag:$0x2] =	stream.linear.gather [hbm4b:s25+s23], $0x80, $0x38;
	[tilespmem:$0x1FA80] =	vst v63  }
0x29: {  	_ =	swait.ge [sflag:s14], $0x80  }
0x2a: {  	[sflag:s14] =	ssyncset.done $0x0  }
0x2b: {  	[sflag:s14] =	ssyncadd.s32 $0xFFFFFF80  }
0x2c: {  	[tilespmem:s16], [sflag:$0x1] =	stream.indirect.gather [hbm4b:s5+s15], $0x80, s23, s15, $0xb8;
	[tilespmem:$0x1FA80] =	vst v63  }
0x2d: {  	_ =	swait.ge [sflag:s17], $0x4000  }
0x2e: {  	[sflag:s17] =	ssyncset.done $0x0  }
0x2f: {  	[sflag:s17] =	ssyncadd.s32 $0xFFFFC000  }
0x30: {  	[tilespmem:s18], [sflag:$0x1] =	stream.indirect.gather [hbm4b:s6+s15], $0x80, s15, s15, $0xb8;
	[tilespmem:$0x1FA80] =	vst v63  }
0x31: {  	_ =	swait.ge [sflag:s17], $0x4000  }
0x32: {  	[sflag:s17] =	ssyncset.done $0x0  }
0x33: {  	s28 =	simm.s32 $0x0;
	[sflag:s17] =	ssyncadd.s32 $0xFFFFC000  }
0x34: {  	v1 =	vld [tilespmem:s28+$0x230]  }
0x35: {  	v2 =	vld [tilespmem:s28+$0x4210]  }
0x36: {  	v4 =	vld [tilespmem:s28+$0x220]  }
0x37: {  	v5 =	vld [tilespmem:s28+$0x4200]  }
0x38: {  	s25 =	simm.s32 $0x80  }
0x39: {  	v6 =	vld [tilespmem:s25+$0x4210]  }
0x3a: {  	v8 =	vld [tilespmem:s25+$0x220]  }
0x3b: {  	v1 =	vadd.f32 v2, v1;
	v2 =	vld [tilespmem:s25+$0x230]  }
0x3c: {  	v9 =	vld [tilespmem:s25+$0x4200];
	v4 =	vadd.f32 v5, v4  }
0x3d: {  	v7 =	vmul.f32 $2.000000030e-01, v1  }
0x3e: {  	s26 =	simm.s32 $0x100;
	v10 =	vmul.f32 $2.000000030e-01, v4  }
0x3f: {  	v11 =	vld [tilespmem:s26+$0x4210];
	v7 =	vmax.f32 v1, v7  }
0x40: {  	v5 =	vmul.f32 $1.442695020e+00, v7;
	v7 =	vld [tilespmem:s26+$0x230];
	v6 =	vadd.f32 v6, v2;
	v2 =	vmax.f32 v4, v10  }
0x41: {  	v12 =	vld [tilespmem:s26+$0x220];
	v4 =	vadd.f32 v9, v8;
	v8 =	vmul.f32 $1.442695020e+00, v2  }
0x42: {  	v9 =	vld [tilespmem:s26+$0x4200];
	(erf) = vpow2.f32 v5;
	v10 =	vmul.f32 $2.000000030e-01, v6  }
0x43: {  	v3 =	vld [tilespmem:s28+$0x200];
	v13 =	vmul.f32 $2.000000030e-01, v4  }
0x44: {  	v1 =	vld [tilespmem:s25+$0x200];
	(erf) = vpow2.f32 v8;
	v10 =	vmax.f32 v6, v10  }
0x45: {  	v2 =	vld [tilespmem:s26+$0x200];
	v4 =	vmax.f32 v4, v13;
	v14 =	vadd.f32 v11, v7;
	v10 =	vmul.f32 $1.442695020e+00, v10  }
0x46: {  	s29 =	simm.s32 $0x180;
	v5 =	vld [tilespmem:s28+$0x210];
	v4 =	vmul.f32 $1.442695020e+00, v4  }
0x47: {  	v8 =	vld [tilespmem:s29+$0x4210];
	v9 =	vadd.f32 v9, v12;
	v12 =	vmul.f32 $2.000000030e-01, v14;
	(erf) = vpow2.f32 v10  }
0x48: {  	v6 =	vld [tilespmem:s29+$0x230];
	(erf) = vpow2.f32 v4  }
0x49: {  	v7 =	vld [tilespmem:s29+$0x220]  }
0x4a: {  	v10 =	vld [tilespmem:s29+$0x4200]  }
0x4b: {  	s30 =	simm.s32 $0x800;
	v11 =	vmul.f32 $2.000000030e-01, v9;
	v4 =	vld [tilespmem:s29+$0x200];
	v13 =	vmax.f32 v14, v12;
	v12 =	vpop (erf)  }
.LBB2_5:
0x4c: {  	v13 =	vmul.f32 $1.442695020e+00, v13;
	v14 =	vmul.f32 v12, v5;
	v5 =	vld [tilespmem:s25+$0x210];
	[tilespmem:s28+$0x8230] =	vst v12;
	s31 =	smov.u32 s29;
	s29 =	sshra.s32 s30, $0x2;
	p1 =	sne.s32 s30, $0xFE00  }
.Ltmp1:
0x4d: {  	s30 =	sadd.s32 $0x200, s30;
	v12 =	vadd.f32 v8, v6;
	v6 =	vld [tilespmem:s29+$0x230];
	v9 =	vmax.f32 v9, v11;
	v11 =	vpop (erf);
	(pc) =	sbr.rel @p1 .LBB2_5-.Ltmp1, $4  }
0x4e: {  	v8 =	vld [tilespmem:s29+$0x4210];
	v15 =	vmul.f32 $1.442695020e+00, v9;
	(erf) = vpow2.f32 v13;
	[tilespmem:s28+$0x8210] =	vst v14  }
0x4f: {  	v14 =	vmul.f32 v11, v3;
	v3 =	vmovc v1;
	v9 =	vadd.f32 v10, v7;
	v7 =	vld [tilespmem:s29+$0x220];
	v13 =	vmul.f32 $2.000000030e-01, v12;
	[tilespmem:s28+$0x8220] =	vst v11  }
0x50: {  	v1 =	vmov v2;
	v10 =	vld [tilespmem:s29+$0x4200];
	(erf) = vpow2.f32 v15;
	v2 =	vmov v4  }
0x51: {  	v4 =	vld [tilespmem:s29+$0x200];
	v11 =	vmul.f32 $2.000000030e-01, v9;
	v13 =	vmax.f32 v12, v13;
	v12 =	vpop (erf);
	[tilespmem:s28+$0x8200] =	vst v14;
	s28 =	smov.u32 s25;
	s25 =	smov.u32 s26;
	s26 =	smov.u32 s31  }
0x52: {  	_ = 	snop  }
0x53: {  	v6 =	vadd.f32 v8, v6  }
0x54: {  	v55 =	vmul.f32 $1.442695020e+00, v13;
	v56 =	vld [tilespmem:s25+$0x210];
	v5 =	vmul.f32 v12, v5  }
0x55: {  	v58 =	vpop (erf);
	v9 =	vmax.f32 v9, v11;
	v7 =	vadd.f32 v10, v7;
	v57 =	vmul.f32 $2.000000030e-01, v6  }
0x56: {  	v3 =	vmul.f32 v58, v3;
	v9 =	vmul.f32 $1.442695020e+00, v9  }
0x57: {  	[tilespmem:s28+$0x8230] =	vst v12;
	(erf) = vpow2.f32 v55;
	v59 =	vmul.f32 $2.000000030e-01, v7;
	v6 =	vmax.f32 v6, v57  }
0x58: {  	[tilespmem:s28+$0x8210] =	vst v5;
	(erf) = vpow2.f32 v9;
	v60 =	vpop (erf);
	v6 =	vmul.f32 $1.442695020e+00, v6  }
0x59: {  	[tilespmem:s28+$0x8200] =	vst v3;
	v3 =	vmul.f32 v60, v56;
	v5 =	vmax.f32 v7, v59  }
0x5a: {  	[tilespmem:s28+$0x8220] =	vst v58;
	v5 =	vmul.f32 $1.442695020e+00, v5;
	(erf) = vpow2.f32 v6  }
0x5b: {  	v61 =	vld [tilespmem:s26+$0x210];
	[tilespmem:s25+$0x8230] =	vst v60;
	v62 =	vpop (erf)  }
0x5c: {  	[tilespmem:s25+$0x8210] =	vst v3;
	v1 =	vmul.f32 v62, v1;
	(erf) = vpow2.f32 v5  }
0x5d: {  	[tilespmem:s25+$0x8220] =	vst v62  }
0x5e: {  	[tilespmem:s25+$0x8200] =	vst v1  }
0x5f: {  	v3 =	vld [tilespmem:s29+$0x210]  }
0x60: {  	v1 =	vpop (erf)  }
0x61: {  	v63 =	vmul.f32 v1, v61;
	[tilespmem:s26+$0x8230] =	vst v1;
	v1 =	vpop (erf)  }
0x62: {  	v2 =	vmul.f32 v1, v2;
	[tilespmem:s26+$0x8220] =	vst v1  }
0x63: {  	[tilespmem:s26+$0x8210] =	vst v63;
	v1 =	vpop (erf)  }
0x64: {  	[tilespmem:s26+$0x8200] =	vst v2;
	v2 =	vmul.f32 v1, v3  }
0x65: {  	[tilespmem:s29+$0x8230] =	vst v1;
	v1 =	vpop (erf)  }
0x66: {  	s24 =	sadd.s32 $0x1, s24;
	[tilespmem:s29+$0x8210] =	vst v2;
	v2 =	vmul.f32 v1, v4  }
0x67: {  	p1 =	sne.s32 s24, $0x4E;
	[tilespmem:s29+$0x8220] =	vst v1  }
.Ltmp2:
0x68: {  	[tilespmem:s29+$0x8200] =	vst v2;
	(pc) =	sbr.rel @p1 .LBB2_4-.Ltmp2, $4  }
0x69: {  	[spmem:s2] =	stream.indirect.scatter.add.f32 [tilespmem:s19], [sflag:$0x2], $0x80, s15, s15, $0xb8;
	[tilespmem:$0x1FA80] =	vst v63  }
0x6a: {  	_ =	swait.ge [sflag:s14], $0x4000  }
0x6b: {  	[sflag:s14] =	ssyncset.done $0x0  }
0x6c: {  	[sflag:s14] =	ssyncadd.s32 $0xFFFFC000  }
0x6d: {  	s23 =	simm.s32 $0x0  }
0x6e: {  	[tilespmem:s20], [sflag:$0x2] =	stream.linear.gather [hbm4b:s9+s23], $0x10, $0x38;
	[tilespmem:$0x1FA80] =	vst v63  }
0x6f: {  	_ =	swait.ge [sflag:s14], $0x10  }
0x70: {  	[sflag:s14] =	ssyncset.done $0x0  }
0x71: {  	[sflag:s14] =	ssyncadd.s32 $0xFFFFFFF0  }
0x72: {  	[tilespmem:s21], [sflag:$0x2] =	stream.linear.gather [hbm4b:s10+s23], $0x10, $0x38;
	[tilespmem:$0x1FA80] =	vst v63  }
0x73: {  	_ =	swait.ge [sflag:s14], $0x10  }
0x74: {  	[sflag:s14] =	ssyncset.done $0x0  }
0x75: {  	[sflag:s14] =	ssyncadd.s32 $0xFFFFFFF0  }
0x76: {  	[tilespmem:s16], [sflag:$0x1] =	stream.indirect.gather [hbm4b:s5+s22], $0x80, s20, s22, $0xb8;
	[tilespmem:$0x1FA80] =	vst v63  }
0x77: {  	_ =	swait.ge [sflag:s17], $0x800  }
0x78: {  	[sflag:s17] =	ssyncset.done $0x0  }
0x79: {  	[sflag:s17] =	ssyncadd.s32 $0xFFFFF800  }
0x7a: {  	[tilespmem:s18], [sflag:$0x1] =	stream.indirect.gather [hbm4b:s6+s22], $0x80, s21, s22, $0xb8;
	[tilespmem:$0x1FA80] =	vst v63  }
0x7b: {  	_ =	swait.ge [sflag:s17], $0x800  }
0x7c: {  	[sflag:s17] =	ssyncset.done $0x0  }
0x7d: {  	s25 =	simm.s32 $0x0;
	[sflag:s17] =	ssyncadd.s32 $0xFFFFF800  }
0x7e: {  	v1 =	vld [tilespmem:s25+$0x230]  }
0x7f: {  	v2 =	vld [tilespmem:s25+$0x4210]  }
0x80: {  	v4 =	vld [tilespmem:s25+$0x220]  }
0x81: {  	v5 =	vld [tilespmem:s25+$0x4200]  }
0x82: {  	s23 =	simm.s32 $0x80  }
0x83: {  	v6 =	vld [tilespmem:s23+$0x4210]  }
0x84: {  	v8 =	vld [tilespmem:s23+$0x220]  }
0x85: {  	v1 =	vadd.f32 v2, v1;
	v2 =	vld [tilespmem:s23+$0x230]  }
0x86: {  	v9 =	vld [tilespmem:s23+$0x4200];
	v4 =	vadd.f32 v5, v4  }
0x87: {  	v7 =	vmul.f32 $2.000000030e-01, v1  }
0x88: {  	s24 =	simm.s32 $0x100;
	v10 =	vmul.f32 $2.000000030e-01, v4  }
0x89: {  	v11 =	vld [tilespmem:s24+$0x4210];
	v7 =	vmax.f32 v1, v7  }
0x8a: {  	v5 =	vmul.f32 $1.442695020e+00, v7;
	v7 =	vld [tilespmem:s24+$0x230];
	v6 =	vadd.f32 v6, v2;
	v2 =	vmax.f32 v4, v10  }
0x8b: {  	v12 =	vld [tilespmem:s24+$0x220];
	v4 =	vadd.f32 v9, v8;
	v8 =	vmul.f32 $1.442695020e+00, v2  }
0x8c: {  	v9 =	vld [tilespmem:s24+$0x4200];
	(erf) = vpow2.f32 v5;
	v10 =	vmul.f32 $2.000000030e-01, v6  }
0x8d: {  	v3 =	vld [tilespmem:s25+$0x200];
	v13 =	vmul.f32 $2.000000030e-01, v4  }
0x8e: {  	v1 =	vld [tilespmem:s23+$0x200];
	(erf) = vpow2.f32 v8;
	v10 =	vmax.f32 v6, v10  }
0x8f: {  	v2 =	vld [tilespmem:s24+$0x200];
	v4 =	vmax.f32 v4, v13;
	v14 =	vadd.f32 v11, v7;
	v10 =	vmul.f32 $1.442695020e+00, v10  }
0x90: {  	s26 =	simm.s32 $0x180;
	v5 =	vld [tilespmem:s25+$0x210];
	v4 =	vmul.f32 $1.442695020e+00, v4  }
0x91: {  	v8 =	vld [tilespmem:s26+$0x4210];
	v9 =	vadd.f32 v9, v12;
	v12 =	vmul.f32 $2.000000030e-01, v14;
	(erf) = vpow2.f32 v10  }
0x92: {  	v6 =	vld [tilespmem:s26+$0x230];
	(erf) = vpow2.f32 v4  }
0x93: {  	v7 =	vld [tilespmem:s26+$0x220]  }
0x94: {  	v10 =	vld [tilespmem:s26+$0x4200]  }
0x95: {  	s28 =	simm.s32 $0x800;
	v11 =	vmul.f32 $2.000000030e-01, v9;
	v4 =	vld [tilespmem:s26+$0x200];
	v13 =	vmax.f32 v14, v12;
	v12 =	vpop (erf)  }
.LBB2_8:
0x96: {  	v13 =	vmul.f32 $1.442695020e+00, v13;
	v14 =	vmul.f32 v12, v5;
	v5 =	vld [tilespmem:s23+$0x210];
	[tilespmem:s25+$0x8230] =	vst v12;
	s29 =	smov.u32 s26;
	s26 =	sshra.s32 s28, $0x2;
	p1 =	sne.s32 s28, $0x1E00  }
.Ltmp3:
0x97: {  	s28 =	sadd.s32 $0x200, s28;
	v12 =	vadd.f32 v8, v6;
	v6 =	vld [tilespmem:s26+$0x230];
	v9 =	vmax.f32 v9, v11;
	v11 =	vpop (erf);
	(pc) =	sbr.rel @p1 .LBB2_8-.Ltmp3, $4  }
0x98: {  	v8 =	vld [tilespmem:s26+$0x4210];
	v15 =	vmul.f32 $1.442695020e+00, v9;
	(erf) = vpow2.f32 v13;
	[tilespmem:s25+$0x8210] =	vst v14  }
0x99: {  	v14 =	vmul.f32 v11, v3;
	v3 =	vmovc v1;
	v9 =	vadd.f32 v10, v7;
	v7 =	vld [tilespmem:s26+$0x220];
	v13 =	vmul.f32 $2.000000030e-01, v12;
	[tilespmem:s25+$0x8220] =	vst v11  }
0x9a: {  	v1 =	vmov v2;
	v10 =	vld [tilespmem:s26+$0x4200];
	(erf) = vpow2.f32 v15;
	v2 =	vmov v4  }
0x9b: {  	v4 =	vld [tilespmem:s26+$0x200];
	v11 =	vmul.f32 $2.000000030e-01, v9;
	v13 =	vmax.f32 v12, v13;
	v12 =	vpop (erf);
	[tilespmem:s25+$0x8200] =	vst v14;
	s25 =	smov.u32 s23;
	s23 =	smov.u32 s24;
	s24 =	smov.u32 s29  }
0x9c: {  	_ = 	snop  }
0x9d: {  	v6 =	vadd.f32 v8, v6  }
0x9e: {  	v55 =	vmul.f32 $1.442695020e+00, v13;
	v56 =	vld [tilespmem:s23+$0x210];
	v5 =	vmul.f32 v12, v5  }
0x9f: {  	v58 =	vpop (erf);
	v9 =	vmax.f32 v9, v11;
	v7 =	vadd.f32 v10, v7;
	v57 =	vmul.f32 $2.000000030e-01, v6  }
0xa0: {  	v3 =	vmul.f32 v58, v3;
	v9 =	vmul.f32 $1.442695020e+00, v9  }
0xa1: {  	[tilespmem:s25+$0x8230] =	vst v12;
	(erf) = vpow2.f32 v55;
	v59 =	vmul.f32 $2.000000030e-01, v7;
	v6 =	vmax.f32 v6, v57  }
0xa2: {  	[tilespmem:s25+$0x8210] =	vst v5;
	(erf) = vpow2.f32 v9;
	v60 =	vpop (erf);
	v6 =	vmul.f32 $1.442695020e+00, v6  }
0xa3: {  	[tilespmem:s25+$0x8200] =	vst v3;
	v3 =	vmul.f32 v60, v56;
	v5 =	vmax.f32 v7, v59  }
0xa4: {  	[tilespmem:s25+$0x8220] =	vst v58;
	v5 =	vmul.f32 $1.442695020e+00, v5;
	(erf) = vpow2.f32 v6  }
0xa5: {  	v61 =	vld [tilespmem:s24+$0x210];
	[tilespmem:s23+$0x8230] =	vst v60;
	v62 =	vpop (erf)  }
0xa6: {  	[tilespmem:s23+$0x8210] =	vst v3;
	v1 =	vmul.f32 v62, v1;
	(erf) = vpow2.f32 v5  }
0xa7: {  	[tilespmem:s23+$0x8220] =	vst v62  }
0xa8: {  	[tilespmem:s23+$0x8200] =	vst v1  }
0xa9: {  	v3 =	vld [tilespmem:s26+$0x210]  }
0xaa: {  	v1 =	vpop (erf)  }
0xab: {  	v63 =	vmul.f32 v1, v61;
	[tilespmem:s24+$0x8230] =	vst v1;
	v1 =	vpop (erf)  }
0xac: {  	v2 =	vmul.f32 v1, v2;
	[tilespmem:s24+$0x8220] =	vst v1  }
0xad: {  	[tilespmem:s24+$0x8210] =	vst v63;
	v1 =	vpop (erf)  }
0xae: {  	[tilespmem:s24+$0x8200] =	vst v2;
	v2 =	vmul.f32 v1, v3  }
0xaf: {  	[tilespmem:s26+$0x8230] =	vst v1;
	v1 =	vpop (erf)  }
0xb0: {  	[tilespmem:s26+$0x8210] =	vst v2;
	v2 =	vmul.f32 v1, v4  }
0xb1: {  	[tilespmem:s26+$0x8220] =	vst v1  }
0xb2: {  	[tilespmem:s26+$0x8200] =	vst v2  }
0xb3: {  	[spmem:s2] =	stream.indirect.scatter.add.f32 [tilespmem:s19], [sflag:$0x2], $0x80, s21, s22, $0xb8;
	[tilespmem:$0x1FA80] =	vst v63  }
0xb4: {  	_ =	swait.ge [sflag:s14], $0x800  }
0xb5: {  	[sflag:s14] =	ssyncset.done $0x0  }
0xb6: {  	s3 =	sadd.s32 $0x1, s3;
	[sflag:s14] =	ssyncadd.s32 $0xFFFFF800  }
0xb7: {  	p1 =	sne.s32 s3, s12;
	s23 =	simm.s32 @!p0 $0x1C02;
	[bflag:$0x0] =	sbarrier.arrive $0xFFFF  }
0xb8: {  	[hbm:s11], [sflag:s23] =	dma.local @!p0 [spmem:s13], $0x27100  }
.Ltmp4:
0xb9: {  	_ = 	snop;
	(pc) =	sbr.rel @p1 .LBB2_1-.Ltmp4, $4  }
0xba: {  	s23 =	simm.s32 @!p0 $0x2  }
0xbb: {  	_ =	swait.ge @!p0 [sflag:s23], $0x27100  }
0xbc: {  	[sflag:s23] =	ssyncset.done @!p0 $0x0  }
0xbd: {  	[sflag:s23] =	ssyncadd.s32 @!p0 $0xFFFD8F00  }
0xbe: {  	_ =	sfence.sel $0x180000  }
0xbf: {  	[bflag:$0x0] =	sbarrier.arrive $0xFFFF  }
0xc0: {  	_ =	strace $0x9000004D  }
0xc1: {  	s0 =	sadd.s32 @!p0 $0x100000, s0;
	[bflag:$0x2] =	sbarrier.arrive $0xFFFF  }
0xc2: {  	[sflag:s0] =	ssyncadd.tile.s32 @!p0 $0x1;
	_ =	shalt  }
.Lfunc_end2:
_tile_overlayer_lowered:
.L_overlay_start_2:
0xc3: {  	(tag) =	ssettag $0x2  }
0xc4: {  	s0 =	rddreg [dreg:$0x0];
	s2 =	stileid.u32  }
0xc5: {  	s1 =	rddreg [dreg:$0x1];
	p0 =	sne.s32 s2, $0x0  }
0xc6: {  	s3 =	rddreg [dreg:$0x2];
	[bflag:$0x3] =	sbarrier.arrive $0xFFFF;
	s2 =	simm.s32 @!p0 $0x1C02  }
0xc7: {  	[timem:s3], [sflag:s2] =	dma.local @!p0 [hbm:s0], s1  }
0xc8: {  	s0 =	simm.s32 @!p0 $0x2  }
0xc9: {  	_ =	swait.ge @!p0 [sflag:s0], s1  }
0xca: {  	s1 =	ssub.s32 @!p0 $0x0, s1;
	[sflag:s0] =	ssyncset.done @!p0 $0x0  }
0xcb: {  	[sflag:s0] =	ssyncadd.s32 @!p0 s1  }
0xcc: {  	[bflag:$0x3] =	sbarrier.arrive $0xFFFF  }
0xcd: {  	_ =	shalt  }

// kernel: kernel.8.cloned.1.call-start
scs
__scs_entry_jumppad:
0x0: {  	(pc) =	sbr.rel $0x88, $3  }
0x1: {  	(tag) =	ssettag $0x0;
	lr =	simm.s32 $0x1  }
0x2: {  	[smem:$0x3F96] =	sst lr;
	_ =	strace $0xD0000000  }
0x3: {  	_ = 	snop  }
0x4: {  	_ = 	snop  }
0x5: {  	_ = 	snop  }
0x6: {  	_ = 	snop  }
0x7: {  	_ = 	snop  }
__scs_overlays_trampoline_lowered:
0x8: {  	[smem:$0x3FA5] =	sst s0  }
0x9: {  	[smem:$0x3FA6] =	sst s1  }
0xa: {  	[smem:$0x3FA7] =	sst s2  }
0xb: {  	[smem:$0x3FA8] =	sst s3  }
0xc: {  	[smem:$0x3FA9] =	sst s4  }
0xd: {  	[smem:$0x3FAA] =	sst s5  }
0xe: {  	[smem:$0x3FAB] =	sst s6  }
0xf: {  	[smem:$0x3FAC] =	sst s7  }
0x10: {  	[smem:$0x3FAD] =	sst s8  }
0x11: {  	[smem:$0x3FAE] =	sst s9;
	s0 =	simm.s32 @!p0 $0x0  }
0x12: {  	s1 =	sld [smem:$0x3F94];
	s0 =	simm.s32 @p0 $0x1  }
0x13: {  	[smem:$0x3FAF] =	sst s0;
	s0 =	simm.s32 @!p1 $0x0  }
0x14: {  	s2 =	sld [smem:$0x3F93];
	s0 =	simm.s32 @p1 $0x1  }
0x15: {  	[smem:$0x3FB0] =	sst s0;
	s0 =	simm.s32 @!p2 $0x0  }
0x16: {  	s3 =	sld [smem:$0x3FDB];
	s0 =	simm.s32 @p2 $0x1  }
0x17: {  	s4 =	simm.s32 $0x1BF5;
	[smem:$0x3FB2] =	sst s0  }
0x18: {  	s0 =	sld [smem:$0x3F95];
	_ =	swait.ge [sflag:s4], $0x0  }
0x19: {  	s7 =	sld [smem:$0x3F96]  }
0x1a: {  	s8 =	sadd.s32 $0xFFFFE003, lr  }
0x1b: {  	s9 =	sadd.s32 $0xFFFFFEF7, lr;
	s5 =	simm.s32 $0xFFFFFFFF;
	p2 =	slt.u32 s8, $0xFFFFF086  }
0x1c: {  	p1 =	slt.u32 s9, $0xF7A;
	s5 =	simm.s32 @!p2 $0x0  }
0x1d: {  	s5 =	simm.s32 @p1 $0x1;
	p0 =	seq.s32 s7, s2  }
0x1e: {  	s7 =	smul.u32 @!p0 $0xF7A, s2;
	p2 =	seq.s32 @!p0 s5, $0x0  }
0x1f: {  	s9 =	smul.u32 $0xF7A, s1;
	s8 =	simm.s32 @!p0 $0x1BF5;
	p2 =	por !p2, p0  }
0x20: {  	[sflag:s8] =	ssyncset.s32 @!p0 $0xFFFFF086;
	s6 =	sadd.s32 @!p0 s3, s7;
	s7 =	simm.s32 @!p0 $0x108  }
0x21: {  	s3 =	sadd.s32 s3, s9;
	s6 =	sadd.s32 @!p0 $0x88, s6;
	s7 =	simm.s32 @p2 $0x1082  }
0x22: {  	[simem:s7], [sflag:s8] =	dma.local @!p0 [hbm:s6], $0xF7A  }
0x23: {  	s9 =	sor.u32 $0xD0000000, s2;
	s6 =	simm.s32 $0x108;
	_ =	swait.ge @!p0 [sflag:s8], $0x0  }
0x24: {  	s3 =	sadd.s32 $0x88, s3;
	s6 =	simm.s32 @!p1 $0x1082;
	[sflag:s4] =	ssyncset.s32 $0xFFFFF086  }
0x25: {  	[simem:s6], [sflag:s4] =	dma.local [hbm:s3], $0xF7A  }
0x26: {  	[smem:$0x3F96] =	sst s1;
	(tag) =	ssettag s2;
	_ =	strace s9  }
0x27: {  	s1 =	sld [smem:$0x3FA6]  }
0x28: {  	s2 =	sld [smem:$0x3FA7]  }
0x29: {  	s4 =	sld [smem:$0x3FA9]  }
0x2a: {  	p0 =	seq.s32 s5, $0x0;
	s5 =	sld [smem:$0x3FAA]  }
0x2b: {  	s6 =	sld [smem:$0x3FAB]  }
0x2c: {  	s7 =	sld [smem:$0x3FAC]  }
0x2d: {  	s3 =	simm.s32 $0x108;
	s8 =	sld [smem:$0x3FAD]  }
0x2e: {  	s3 =	simm.s32 @!p0 $0x1082;
	s9 =	sld [smem:$0x3FAE]  }
0x2f: {  	lr =	sadd.s32 s0, s3;
	s0 =	sld [smem:$0x3FA5]  }
0x30: {  	s3 =	sld [smem:$0x3FA8]  }
0x31: {  	[smem:$0x3FB1] =	sst s10  }
0x32: {  	s10 =	sld [smem:$0x3FAF];
	_ =	sdelay $0x3  }
0x33: {  	p0 =	seq.s32 s10, $0x1;
	s10 =	sld [smem:$0x3FB1];
	_ =	sdelay $0x3  }
0x34: {  	[smem:$0x3FB1] =	sst s10  }
0x35: {  	s10 =	sld [smem:$0x3FB0];
	_ =	sdelay $0x3  }
0x36: {  	p1 =	seq.s32 s10, $0x1;
	s10 =	sld [smem:$0x3FB1];
	_ =	sdelay $0x3  }
0x37: {  	[smem:$0x3FB1] =	sst s10  }
0x38: {  	s10 =	sld [smem:$0x3FB2]  }
0x39: {  	_ = 	snop;
	(pc) =	sbr.ind lr, $3  }
0x3a: {  	_ = 	snop  }
0x3b: {  	_ = 	snop  }
0x3c: {  	p2 =	seq.s32 s10, $0x1;
	s10 =	sld [smem:$0x3FB1]  }
0x3d: {  	_ =	shalt  }
0x3e: {  	_ =	shalt  }
0x3f: {  	_ =	shalt  }
0x40: {  	_ =	shalt  }
0x41: {  	_ =	shalt  }
0x42: {  	_ =	shalt  }
0x43: {  	_ =	shalt  }
0x44: {  	_ =	shalt  }
0x45: {  	_ =	shalt  }
0x46: {  	_ =	shalt  }
0x47: {  	_ =	shalt  }
0x48: {  	_ =	shalt  }
0x49: {  	_ =	shalt  }
0x4a: {  	_ =	shalt  }
0x4b: {  	_ =	shalt  }
0x4c: {  	_ =	shalt  }
0x4d: {  	_ =	shalt  }
0x4e: {  	_ =	shalt  }
0x4f: {  	_ =	shalt  }
0x50: {  	_ =	shalt  }
0x51: {  	_ =	shalt  }
0x52: {  	_ =	shalt  }
0x53: {  	_ =	shalt  }
0x54: {  	_ =	shalt  }
0x55: {  	_ =	shalt  }
0x56: {  	_ =	shalt  }
0x57: {  	_ =	shalt  }
0x58: {  	_ =	shalt  }
0x59: {  	_ =	shalt  }
0x5a: {  	_ =	shalt  }
0x5b: {  	_ =	shalt  }
0x5c: {  	_ =	shalt  }
0x5d: {  	_ =	shalt  }
0x5e: {  	_ =	shalt  }
0x5f: {  	_ =	shalt  }
0x60: {  	_ =	shalt  }
0x61: {  	_ =	shalt  }
0x62: {  	_ =	shalt  }
0x63: {  	_ =	shalt  }
0x64: {  	_ =	shalt  }
0x65: {  	_ =	shalt  }
0x66: {  	_ =	shalt  }
0x67: {  	_ =	shalt  }
0x68: {  	_ =	shalt  }
0x69: {  	_ =	shalt  }
0x6a: {  	_ =	shalt  }
0x6b: {  	_ =	shalt  }
0x6c: {  	_ =	shalt  }
0x6d: {  	_ =	shalt  }
0x6e: {  	_ =	shalt  }
0x6f: {  	_ =	shalt  }
0x70: {  	_ =	shalt  }
0x71: {  	_ =	shalt  }
0x72: {  	_ =	shalt  }
0x73: {  	_ =	shalt  }
0x74: {  	_ =	shalt  }
0x75: {  	_ =	shalt  }
0x76: {  	_ =	shalt  }
0x77: {  	_ =	shalt  }
0x78: {  	_ =	shalt  }
0x79: {  	_ =	shalt  }
0x7a: {  	_ =	shalt  }
0x7b: {  	_ =	shalt  }
0x7c: {  	_ =	shalt  }
0x7d: {  	_ =	shalt  }
0x7e: {  	_ =	shalt  }
0x7f: {  	_ =	shalt  }
0x80: {  	_ =	shalt  }
0x81: {  	_ =	shalt  }
0x82: {  	_ =	shalt  }
0x83: {  	_ =	shalt  }
0x84: {  	_ =	shalt  }
0x85: {  	_ =	shalt  }
0x86: {  	_ =	shalt  }
0x87: {  	_ =	shalt  }
.Lfunc_end0:
.L_simem_size_0:
called_computation_lowered:
.L_overlay_start_0:
0x88: {  	s2 =	sld [smem:$0x3FD9]  }
0x89: {  	s3 =	sld [smem:$0x3FFE];
	_ =	sdelay $0x1  }
0x8a: {  	s1 =	srdreg.scid  }
0x8b: {  	s0 =	sand.u32 $0x1, s1  }
0x8c: {  	s16 =	sshll.u32 s0, $0xA;
	s2 =	sadd.s32 s3, s2  }
0x8d: {  	s2 =	sadd.s32 s2, s16  }
0x8e: {  	[smem:$0x3FBD] =	sst s2  }
0x8f: {  	_ = 	snop  }
0x90: {  	(tm) =	ssettm $0x1  }
0x91: {  	s17 =	sld [smem:$0x3FFB];
	_ =	sdelay $0x3  }
0x92: {  	_ =	strace s17  }
0x93: {  	s2 =	sld [smem:$0x3FFC];
	_ =	sdelay $0x3  }
0x94: {  	_ =	strace s2  }
0x95: {  	s2 =	sld [smem:$0x3FFD];
	_ =	sdelay $0x3  }
0x96: {  	_ =	strace s2  }
0x97: {  	_ =	strace $0x8FFFFFFF  }
0x98: {  	s18 =	sld [smem:$0x3FDB];
	_ =	sdelay $0x1  }
0x99: {  	s19 =	simm.s32 $_scs_section_size  }
0x9a: {  	s4 =	simm.s32 $_size__tile_overlayer_lowered;
	s5 =	simm.s32 $_tile_overlayer_lowered  }
0x9b: {  	s22 =	simm.s32 $0x1BFF;
	s21 =	sshll.u32 s5, $0x1;
	s2 =	sadd.s32 s19, s18  }
0x9c: {  	s6 =	simm.s32 $0x0;
	s20 =	sshll.u32 s4, $0x1;
	s4 =	sadd.s32 s21, s2  }
0x9d: {  	[timem:s6], [sflag:s22] =	dma.local [hbm:s4], s20  }
0x9e: {  	_ =	swait.ge [sflag:s22], s20  }
0x9f: {  	s3 =	ssub.s32 $0x0, s20;
	[sflag:s22] =	ssyncset.done $0x0  }
0xa0: {  	[sflag:s22] =	ssyncadd.s32 s3;
	_ =	sdelay $0x1  }
0xa1: {  	s23 =	simm.s32 $0x1B8B  }
0xa2: {  	_ =	swait.ge [sflag:s23], $0x1  }
0xa3: {  	[sflag:s23] =	ssyncset.done $0x0  }
0xa4: {  	s25 =	simm.s32 $0x1B8E;
	s24 =	sld [smem:$0x3FFE];
	[sflag:s23] =	ssyncadd.s32 $0xFFFFFFFF  }
0xa5: {  	s26 =	simm.s32 $execute0_lowered;
	[smem:$0x3FD2] =	sst s25  }
0xa6: {  	s4 =	sshll.u32 s26, $0x1;
	_ =	strace $0x80000046;
	[dreg:$0x1] =	wrdreg $0xFFFFFFFF  }
0xa7: {  	s28 =	simm.s32 $_size_execute0_lowered;
	s2 =	sadd.s32 s2, s4;
	[dreg:$0x0] =	wrdreg $0x0  }
0xa8: {  	s4 =	sshll.u32 s28, $0x1;
	[dreg:$0x2] =	wrdreg s2  }
0xa9: {  	[dreg:$0x3] =	wrdreg s4  }
0xaa: {  	[dreg:$0x4] =	wrdreg $0xC0  }
0xab: {  	_ =	task [dreg:s6], $0x5FFFF  }
0xac: {  	[dreg:$0x1] =	wrdreg $0xFFFFFFFF  }
0xad: {  	[dreg:$0x0] =	wrdreg $0x60  }
0xae: {  	[dreg:$0x2] =	wrdreg s24  }
0xaf: {  	[dreg:$0x3] =	wrdreg $0x51800  }
0xb0: {  	[dreg:$0x4] =	wrdreg $0x9  }
0xb1: {  	_ =	task.clear_ibuf [dreg:s6], $0x5FFFF;
	_ =	strace $0x90000046  }
0xb2: {  	s29 =	simm.s32 $0x9;
	_ =	strace $0x80000048  }
0xb3: {  	_ =	swait.ge [sflag:s29], $0x1  }
0xb4: {  	[sflag:s29] =	ssyncadd.s32 $0xFFFFFFFF  }
0xb5: {  	_ =	strace $0x90000048  }
0xb6: {  	_ =	sfence  }
0xb7: {  	s30 =	sld [smem:$0x0];
	_ =	sdelay $0x2  }
0xb8: {  	s31 =	sshll.u32 s1, $0xD;
	s1 =	sshrl.u32 s1, $0x2  }
0xb9: {  	s3 =	sand.u32 $0x4000, s31;
	s1 =	sadd.s32 s1, s30  }
0xba: {  	s0 =	sor.u32 s3, s0;
	s1 =	sshll.u32 s1, $0x11  }
0xbb: {  	s0 =	sor.u32 s1, s0  }
0xbc: {  	s0 =	sadd.s32 $0x8F2B, s0  }
0xbd: {  	[sflag:s0] =	ssyncadd.remote.s32 $0x1  }
0xbe: {  	_ =	sfence.sel $0xFFFF  }
0xbf: {  	[dreg:$0x0] =	wrdreg $0xFFFFFFFF;
	(pc) =	sbr.abs _section_cstart, $3  }
0xc0: {  	[dreg:$0x1] =	wrdreg $0xFFFFFFFF  }
0xc1: {  	_ =	task.clear_ibuf [dreg:s6], $0x2FFFF;
	_ =	strace $0x9FFFFFFF  }
0xc2: {  	(tm) =	ssettm $0x7FFFFFFF  }
0xc3: {  	_ =	shalt  }
tec
execute0_lowered:
.L_overlay_start_1:
0x0: {  	(tag) =	ssettag $0x1  }
0x1: {  	s0 =	rddreg [dreg:$0x0]  }
0x2: {  	s1 =	rddreg [dreg:$0x1];
	s2 =	simm.s32 $0x0  }
0x3: {  	s3 =	srdreg.scid;
	s11 =	stileid.u32;
	s14 =	simm.s32 $0x2  }
0x4: {  	s15 =	simm.s32 $0x80;
	s16 =	simm.s32 $0x100;
	s17 =	simm.s32 $0x180  }
0x5: {  	s18 =	simm.s32 $0x980;
	s19 =	simm.s32 $0x1180;
	s20 =	simm.s32 $0x1980  }
0x6: {  	s21 =	simm.s32 $0x2180;
	s22 =	simm.s32 $0x1;
	s23 =	simm.s32 $0x28  }
0x7: {  	s24 =	simm.s32 $0x2980;
	s25 =	simm.s32 $0x3D80;
	[smem:$0x7FF] =	sst s2  }
0x8: {  	s8 =	sand.u32 $0x1, s3;
	s3 =	sadd.s32 $0x3800, s0;
	s4 =	sadd.s32 $0xD600, s0  }
0x9: {  	s5 =	sadd.s32 $0x21000, s0;
	s6 =	sadd.s32 $0x34A00, s0;
	s7 =	sadd.s32 $0x11F000, s0  }
0xa: {  	s10 =	sadd.s32 $0x16D200, s0;
	p0 =	sne.s32 s11, $0x0;
	s9 =	smul.u32 $0x27100, s8  }
0xb: {  	_ =	strace $0x80000047;
	[dreg:$0x3] =	wrdreg s10;
	s30 =	ssub.s32 $0x2, s8  }
0xc: {  	v2 =	vlaneseq.u32;
	s10 =	smul.u32 $0x4E20, s11;
	s12 =	sshrl.u32 s30, $0x1;
	s0 =	sadd.s32 s9, s0  }
0xd: {  	vm0 =	vmmov $0xffff;
	v1 =	vshrl.u32 v2, $0x3;
	s13 =	sshrl.u32 @!p0 s1, $0x3;
	s31 =	ssub.s32 s30, s12;
	s0 =	sadd.s32 $0x194400, s0  }
0xe: {  	v0 =	vand.u32 $0x7, v2;
	v2 =	vor.u32 $0x8, v2;
	v1 =	vmul.u32 $0x8, v1;
	s9 =	smul.u32 $0x4E200, s8;
	s12 =	smax.u32 s31, $0x1;
	[dreg:$0x4] =	wrdreg s0  }
.LBB2_1:
0xf: {  	s0 =	simm.s32 @!p0 $0x1C02;
	s8 =	rddreg [dreg:$0x3]  }
0x10: {  	[spmem:s13], [sflag:s0] =	dma.local @!p0 [hbm:s8], $0x27100  }
0x11: {  	s0 =	simm.s32 @!p0 $0x2  }
0x12: {  	_ =	swait.ge @!p0 [sflag:s0], $0x27100  }
0x13: {  	[sflag:s0] =	ssyncset.done @!p0 $0x0  }
0x14: {  	[sflag:s0] =	ssyncadd.s32 @!p0 $0xFFFD8F00  }
0x15: {  	s26 =	simm.s32 $0x0;
	[bflag:$0x0] =	sbarrier.arrive $0xFFFF  }
.LBB2_2:
0x16: {  	s0 =	smul.u32 $0x28, s26;
	_ =	sdelay $0x1  }
0x17: {  	s0 =	sadd.s32 s10, s0  }
0x18: {  	s8 =	sadd.s32 s9, s0  }
0x19: {  	s8 =	sshrl.u32 s8, $0x3  }
0x1a: {  	s28 =	simm.s32 $0x0;
	s29 =	sadd.s32 s4, s8  }
0x1b: {  	[tilespmem:s28], [sflag:$0x2] =	stream.linear.gather [hbm4b:s29+s28], $0x28, $0x38;
	[tilespmem:$0x18A00] =	vst v63  }
0x1c: {  	_ =	swait.ge [sflag:s14], $0x28  }
0x1d: {  	[sflag:s14] =	ssyncset.done $0x0  }
0x1e: {  	s8 =	sadd.s32 s5, s8;
	[sflag:s14] =	ssyncadd.s32 $0xFFFFFFD8  }
0x1f: {  	[tilespmem:s15], [sflag:$0x2] =	stream.linear.gather [hbm4b:s8+s28], $0x28, $0x38;
	[tilespmem:$0x18A00] =	vst v63  }
0x20: {  	_ =	swait.ge [sflag:s14], $0x28  }
0x21: {  	s0 =	sshrl.u32 s0, $0x3;
	[sflag:s14] =	ssyncset.done $0x0  }
0x22: {  	s0 =	sadd.s32 s3, s0;
	[sflag:s14] =	ssyncadd.s32 $0xFFFFFFD8  }
0x23: {  	[tilespmem:s16], [sflag:$0x2] =	stream.linear.gather [hbm4b:s0+s28], $0x28, $0x38;
	[tilespmem:$0x18A00] =	vst v63  }
0x24: {  	_ =	swait.ge [sflag:s14], $0x28  }
0x25: {  	[sflag:s14] =	ssyncset.done $0x0  }
0x26: {  	[sflag:s14] =	ssyncadd.s32 $0xFFFFFFD8  }
0x27: {  	v3 =	vld [tilespmem:$0x0];
	_ =	sdelay $0x4  }
0x28: {  	v4 =	vshll.u32 v3, $0x1  }
0x29: {  	v3 =	vand.u32 $0x7, v3;
	v4 =	vand.u32 $0xFFFFFFF0, v4  }
0x2a: {  	v3 =	vor.u32 v3, v4  }
0x2b: {  	v4 =	vperm.xlane v3, v0;
	_ =	sdelay $0x1  }
0x2c: {  	v3 =	vperm.xlane v3, v2;
	v4 =	vadd.s32 v1, v4;
	_ =	sdelay $0x1  }
0x2d: {  	v3 =	vadd.s32 v1, v3;
	_ =	sdelay $0x2  }
0x2e: {  	[tilespmem:s17], [sflag:$0x1] =	stream.indirect_vreg.gather [hbm4b:s6+s28], $0x80, v4, vm0, $0xb8;
	[tilespmem:$0x18A00] =	vst v63  }
0x2f: {  	_ = 	snop  }
0x30: {  	[tilespmem:s18], [sflag:$0x1] =	stream.indirect_vreg.gather [hbm4b:s6+s28], $0x80, v3, vm0, $0xb8;
	[tilespmem:$0x18A00] =	vst v63  }
0x31: {  	v3 =	vld [tilespmem:$0x10];
	_ =	sdelay $0x4  }
0x32: {  	v4 =	vshll.u32 v3, $0x1  }
0x33: {  	v3 =	vand.u32 $0x7, v3;
	v4 =	vand.u32 $0xFFFFFFF0, v4  }
0x34: {  	v3 =	vor.u32 v3, v4  }
0x35: {  	v4 =	vperm.xlane v3, v0;
	_ =	sdelay $0x1  }
0x36: {  	v3 =	vperm.xlane v3, v2;
	v4 =	vadd.s32 v1, v4;
	_ =	sdelay $0x1  }
0x37: {  	v3 =	vadd.s32 v1, v3;
	_ =	sdelay $0x2  }
0x38: {  	[tilespmem:s19], [sflag:$0x1] =	stream.indirect_vreg.gather [hbm4b:s6+s28], $0x80, v4, vm0, $0xb8;
	[tilespmem:$0x18A00] =	vst v63  }
0x39: {  	_ = 	snop  }
0x3a: {  	[tilespmem:s20], [sflag:$0x1] =	stream.indirect_vreg.gather [hbm4b:s6+s28], $0x80, v3, vm0, $0xb8;
	[tilespmem:$0x18A00] =	vst v63  }
0x3b: {  	v3 =	vld.msk [tilespmem:$0x20], $0xff;
	_ =	sdelay $0x4  }
0x3c: {  	v4 =	vshll.u32 v3, $0x1  }
0x3d: {  	v3 =	vand.u32 $0x7, v3;
	v4 =	vand.u32 $0xFFFFFFF0, v4  }
0x3e: {  	v3 =	vor.u32 v3, v4  }
0x3f: {  	v3 =	vperm.xlane v3, v0;
	_ =	sdelay $0x1  }
0x40: {  	v3 =	vadd.s32 v1, v3;
	_ =	sdelay $0x4  }
0x41: {  	[tilespmem:s21], [sflag:$0x1] =	stream.indirect_vreg.gather [hbm4b:s6+s28], $0x80, v3, vm0, $0xb8;
	[tilespmem:$0x18A00] =	vst v63  }
0x42: {  	_ =	swait.ge [sflag:s22], $0x2800  }
0x43: {  	[sflag:s22] =	ssyncset.done $0x0  }
0x44: {  	[sflag:s22] =	ssyncadd.s32 $0xFFFFD800  }
0x45: {  	[tilespmem:s24], [sflag:$0x1] =	stream.indirect.gather [hbm4b:s7+s23], $0x80, s15, s23, $0xb8;
	[tilespmem:$0x18A00] =	vst v63  }
0x46: {  	_ =	swait.ge [sflag:s22], $0x1400  }
0x47: {  	s11 =	sand.u32 $0x380, s28;
	[sflag:s22] =	ssyncset.done $0x0  }
0x48: {  	s29 =	simm.s32 $0x29C0;
	s8 =	sand.u32 $0x3800, s28;
	[sflag:s22] =	ssyncadd.s32 $0xFFFFEC00  }
0x49: {  	s0 =	sor.u32 s11, s8;
	v3 =	vld [tilespmem:s29+$0xFFFFFFC0]  }
0x4a: {  	v4 =	vld [tilespmem:s0+$0x580];
	_ =	sdelay $0x4  }
0x4b: {  	v3 =	vadd.f32 v3, v4;
	_ =	sdelay $0x1  }
0x4c: {  	v4 =	vmul.f32 $2.000000030e-01, v3;
	_ =	sdelay $0x1  }
0x4d: {  	v3 =	vmax.f32 v3, v4  }
0x4e: {  	v3 =	vmul.f32 $1.442695020e+00, v3;
	_ =	sdelay $0x1  }
0x4f: {  	(erf) = vpow2.f32 v3;
	_ =	sdelay $0x4  }
0x50: {  	v3 =	vld [tilespmem:s0+$0x180];
	_ =	sdelay $0x3  }
0x51: {  	v4 =	vpop (erf)  }
0x52: {  	v3 =	vmul.f32 v4, v3  }
0x53: {  	s30 =	simm.s32 $0x3DC0  }
0x54: {  	[tilespmem:s30+$0xFFFFFFC0] =	vst v3  }
0x55: {  	v3 =	vld [tilespmem:s0+$0x590]  }
0x56: {  	v4 =	vld [tilespmem:s29+$0xFFFFFFD0];
	_ =	sdelay $0x4  }
0x57: {  	v3 =	vadd.f32 v4, v3;
	_ =	sdelay $0x1  }
0x58: {  	v4 =	vmul.f32 $2.000000030e-01, v3;
	_ =	sdelay $0x1  }
0x59: {  	v3 =	vmax.f32 v3, v4  }
0x5a: {  	v3 =	vmul.f32 $1.442695020e+00, v3;
	_ =	sdelay $0x1  }
0x5b: {  	(erf) = vpow2.f32 v3;
	_ =	sdelay $0x4  }
0x5c: {  	v3 =	vld [tilespmem:s0+$0x190];
	_ =	sdelay $0x3  }
0x5d: {  	v4 =	vpop (erf)  }
0x5e: {  	v3 =	vmul.f32 v4, v3;
	_ =	sdelay $0x1  }
0x5f: {  	[tilespmem:s30+$0xFFFFFFD0] =	vst v3  }
0x60: {  	v3 =	vld [tilespmem:s0+$0x5A0]  }
0x61: {  	v4 =	vld [tilespmem:s29+$0xFFFFFFE0];
	_ =	sdelay $0x4  }
0x62: {  	v3 =	vadd.f32 v4, v3;
	_ =	sdelay $0x1  }
0x63: {  	v4 =	vmul.f32 $2.000000030e-01, v3;
	_ =	sdelay $0x1  }
0x64: {  	v3 =	vmax.f32 v3, v4  }
0x65: {  	v3 =	vmul.f32 $1.442695020e+00, v3;
	_ =	sdelay $0x1  }
0x66: {  	(erf) = vpow2.f32 v3;
	_ =	sdelay $0x4  }
0x67: {  	v3 =	vld [tilespmem:s0+$0x1A0];
	_ =	sdelay $0x3  }
0x68: {  	v4 =	vpop (erf)  }
0x69: {  	v3 =	vmul.f32 v4, v3;
	_ =	sdelay $0x1  }
0x6a: {  	[tilespmem:s30+$0xFFFFFFE0] =	vst v3  }
0x6b: {  	v3 =	vld [tilespmem:s0+$0x5B0]  }
0x6c: {  	v4 =	vld [tilespmem:s29+$0xFFFFFFF0];
	_ =	sdelay $0x4  }
0x6d: {  	v3 =	vadd.f32 v4, v3;
	_ =	sdelay $0x1  }
0x6e: {  	v4 =	vmul.f32 $2.000000030e-01, v3;
	_ =	sdelay $0x1  }
0x6f: {  	v3 =	vmax.f32 v3, v4  }
0x70: {  	v3 =	vmul.f32 $1.442695020e+00, v3;
	_ =	sdelay $0x1  }
0x71: {  	(erf) = vpow2.f32 v3;
	_ =	sdelay $0x4  }
0x72: {  	v3 =	vld [tilespmem:s0+$0x1B0];
	_ =	sdelay $0x3  }
0x73: {  	v4 =	vpop (erf)  }
0x74: {  	v3 =	vmul.f32 v4, v3;
	_ =	sdelay $0x1  }
0x75: {  	[tilespmem:s30+$0xFFFFFFF0] =	vst v3  }
0x76: {  	v3 =	vld [tilespmem:s0+$0x5C0]  }
0x77: {  	v4 =	vld [tilespmem:s29+$0x0];
	_ =	sdelay $0x4  }
0x78: {  	v3 =	vadd.f32 v4, v3;
	_ =	sdelay $0x1  }
0x79: {  	v4 =	vmul.f32 $2.000000030e-01, v3;
	_ =	sdelay $0x1  }
0x7a: {  	v3 =	vmax.f32 v3, v4  }
0x7b: {  	v3 =	vmul.f32 $1.442695020e+00, v3;
	_ =	sdelay $0x1  }
0x7c: {  	(erf) = vpow2.f32 v3;
	_ =	sdelay $0x4  }
0x7d: {  	v3 =	vld [tilespmem:s0+$0x1C0];
	_ =	sdelay $0x3  }
0x7e: {  	v4 =	vpop (erf)  }
0x7f: {  	v3 =	vmul.f32 v4, v3;
	_ =	sdelay $0x1  }
0x80: {  	[tilespmem:s30+$0x0] =	vst v3  }
0x81: {  	v3 =	vld [tilespmem:s0+$0x5D0]  }
0x82: {  	v4 =	vld [tilespmem:s29+$0x10];
	_ =	sdelay $0x4  }
0x83: {  	v3 =	vadd.f32 v4, v3;
	_ =	sdelay $0x1  }
0x84: {  	v4 =	vmul.f32 $2.000000030e-01, v3;
	_ =	sdelay $0x1  }
0x85: {  	v3 =	vmax.f32 v3, v4  }
0x86: {  	v3 =	vmul.f32 $1.442695020e+00, v3;
	_ =	sdelay $0x1  }
0x87: {  	(erf) = vpow2.f32 v3;
	_ =	sdelay $0x4  }
0x88: {  	v3 =	vld [tilespmem:s0+$0x1D0];
	_ =	sdelay $0x3  }
0x89: {  	v4 =	vpop (erf)  }
0x8a: {  	v3 =	vmul.f32 v4, v3;
	_ =	sdelay $0x1  }
0x8b: {  	[tilespmem:s30+$0x10] =	vst v3  }
0x8c: {  	v3 =	vld [tilespmem:s0+$0x5E0]  }
0x8d: {  	v4 =	vld [tilespmem:s29+$0x20];
	_ =	sdelay $0x4  }
0x8e: {  	v3 =	vadd.f32 v4, v3;
	_ =	sdelay $0x1  }
0x8f: {  	v4 =	vmul.f32 $2.000000030e-01, v3;
	_ =	sdelay $0x1  }
0x90: {  	v3 =	vmax.f32 v3, v4  }
0x91: {  	v3 =	vmul.f32 $1.442695020e+00, v3;
	_ =	sdelay $0x1  }
0x92: {  	(erf) = vpow2.f32 v3;
	_ =	sdelay $0x4  }
0x93: {  	v3 =	vld [tilespmem:s0+$0x1E0];
	_ =	sdelay $0x3  }
0x94: {  	v4 =	vpop (erf)  }
0x95: {  	v3 =	vmul.f32 v4, v3;
	_ =	sdelay $0x1  }
0x96: {  	[tilespmem:s30+$0x20] =	vst v3  }
0x97: {  	v3 =	vld [tilespmem:s0+$0x5F0]  }
0x98: {  	v4 =	vld [tilespmem:s29+$0x30];
	_ =	sdelay $0x4  }
0x99: {  	v3 =	vadd.f32 v4, v3;
	_ =	sdelay $0x1  }
0x9a: {  	v4 =	vmul.f32 $2.000000030e-01, v3;
	_ =	sdelay $0x1  }
0x9b: {  	v3 =	vmax.f32 v3, v4  }
0x9c: {  	v4 =	vmul.f32 $1.442695020e+00, v3;
	_ =	sdelay $0x1  }
0x9d: {  	s31 =	simm.s32 $0x100;
	v3 =	vld [tilespmem:s0+$0x1F0];
	s0 =	simm.s32 $0x3DC0;
	(erf) = vpow2.f32 v4  }
.LBB2_3:
0x9e: {  	_ =	sdelay $0x3  }
0x9f: {  	s28 =	sadd.s32 $0x80, s28;
	s30 =	sadd.s32 $0x80, s30;
	s29 =	sadd.s32 $0x80, s29  }
0xa0: {  	p1 =	sne.s32 s31, $0x2700;
	s8 =	smov.u32 s31;
	s31 =	sadd.s32 $0x100, s31  }
0xa1: {  	_ =	sdelay $0x1  }
0xa2: {  	v4 =	vpop (erf)  }
0xa3: {  	v3 =	vmul.f32 v4, v3;
	_ =	sdelay $0x1  }
0xa4: {  	s8 =	sand.u32 $0x3800, s8;
	s11 =	sand.u32 $0x380, s28;
	[tilespmem:s0+$0x30] =	vst v3;
	s0 =	smov.u32 s30  }
0xa5: {  	s8 =	sor.u32 s11, s8;
	v3 =	vld [tilespmem:s29+$0xFFFFFFC0]  }
0xa6: {  	v4 =	vld [tilespmem:s8+$0x580];
	_ =	sdelay $0x4  }
0xa7: {  	v3 =	vadd.f32 v3, v4;
	_ =	sdelay $0x1  }
0xa8: {  	v4 =	vmul.f32 $2.000000030e-01, v3;
	_ =	sdelay $0x1  }
0xa9: {  	v3 =	vmax.f32 v3, v4  }
0xaa: {  	v3 =	vmul.f32 $1.442695020e+00, v3;
	_ =	sdelay $0x1  }
0xab: {  	(erf) = vpow2.f32 v3;
	_ =	sdelay $0x4  }
0xac: {  	v3 =	vld [tilespmem:s8+$0x180];
	_ =	sdelay $0x3  }
0xad: {  	v4 =	vpop (erf)  }
0xae: {  	v3 =	vmul.f32 v4, v3;
	_ =	sdelay $0x1  }
0xaf: {  	[tilespmem:s30+$0xFFFFFFC0] =	vst v3  }
0xb0: {  	v3 =	vld [tilespmem:s8+$0x590]  }
0xb1: {  	v4 =	vld [tilespmem:s29+$0xFFFFFFD0];
	_ =	sdelay $0x4  }
0xb2: {  	v3 =	vadd.f32 v4, v3;
	_ =	sdelay $0x1  }
0xb3: {  	v4 =	vmul.f32 $2.000000030e-01, v3;
	_ =	sdelay $0x1  }
0xb4: {  	v3 =	vmax.f32 v3, v4  }
0xb5: {  	v3 =	vmul.f32 $1.442695020e+00, v3;
	_ =	sdelay $0x1  }
0xb6: {  	(erf) = vpow2.f32 v3;
	_ =	sdelay $0x3  }
0xb7: {  	v3 =	vld [tilespmem:s8+$0x190];
	_ =	sdelay $0x4  }
0xb8: {  	v4 =	vpop (erf)  }
0xb9: {  	v3 =	vmul.f32 v4, v3;
	_ =	sdelay $0x1  }
0xba: {  	[tilespmem:s30+$0xFFFFFFD0] =	vst v3  }
0xbb: {  	v3 =	vld [tilespmem:s8+$0x5A0]  }
0xbc: {  	v4 =	vld [tilespmem:s29+$0xFFFFFFE0];
	_ =	sdelay $0x4  }
0xbd: {  	v3 =	vadd.f32 v4, v3;
	_ =	sdelay $0x1  }
0xbe: {  	v4 =	vmul.f32 $2.000000030e-01, v3;
	_ =	sdelay $0x1  }
0xbf: {  	v3 =	vmax.f32 v3, v4  }
0xc0: {  	v3 =	vmul.f32 $1.442695020e+00, v3;
	_ =	sdelay $0x1  }
0xc1: {  	(erf) = vpow2.f32 v3;
	_ =	sdelay $0x2  }
0xc2: {  	v3 =	vld [tilespmem:s8+$0x1A0];
	_ =	sdelay $0x5  }
0xc3: {  	v4 =	vpop (erf)  }
0xc4: {  	v3 =	vmul.f32 v4, v3;
	_ =	sdelay $0x1  }
0xc5: {  	[tilespmem:s30+$0xFFFFFFE0] =	vst v3  }
0xc6: {  	v3 =	vld [tilespmem:s8+$0x5B0]  }
0xc7: {  	v4 =	vld [tilespmem:s29+$0xFFFFFFF0];
	_ =	sdelay $0x4  }
0xc8: {  	v3 =	vadd.f32 v4, v3;
	_ =	sdelay $0x1  }
0xc9: {  	v4 =	vmul.f32 $2.000000030e-01, v3;
	_ =	sdelay $0x1  }
0xca: {  	v3 =	vmax.f32 v3, v4  }
0xcb: {  	v3 =	vmul.f32 $1.442695020e+00, v3;
	_ =	sdelay $0x1  }
0xcc: {  	(erf) = vpow2.f32 v3;
	_ =	sdelay $0x1  }
0xcd: {  	v3 =	vld [tilespmem:s8+$0x1B0];
	_ =	sdelay $0x6  }
0xce: {  	v4 =	vpop (erf)  }
0xcf: {  	v3 =	vmul.f32 v4, v3;
	_ =	sdelay $0x1  }
0xd0: {  	[tilespmem:s30+$0xFFFFFFF0] =	vst v3  }
0xd1: {  	v3 =	vld [tilespmem:s8+$0x5C0]  }
0xd2: {  	v4 =	vld [tilespmem:s29+$0x0];
	_ =	sdelay $0x4  }
0xd3: {  	v3 =	vadd.f32 v4, v3;
	_ =	sdelay $0x1  }
0xd4: {  	v4 =	vmul.f32 $2.000000030e-01, v3;
	_ =	sdelay $0x1  }
0xd5: {  	v3 =	vmax.f32 v3, v4  }
0xd6: {  	v3 =	vmul.f32 $1.442695020e+00, v3;
	_ =	sdelay $0x1  }
0xd7: {  	(erf) = vpow2.f32 v3  }
0xd8: {  	v3 =	vld [tilespmem:s8+$0x1C0];
	_ =	sdelay $0x7  }
0xd9: {  	v4 =	vpop (erf)  }
0xda: {  	v3 =	vmul.f32 v4, v3;
	_ =	sdelay $0x1  }
0xdb: {  	[tilespmem:s30+$0x0] =	vst v3  }
0xdc: {  	v3 =	vld [tilespmem:s8+$0x5D0]  }
0xdd: {  	v4 =	vld [tilespmem:s29+$0x10]  }
0xde: {  	v5 =	vld [tilespmem:s8+$0x1D0];
	_ =	sdelay $0x3  }
0xdf: {  	v3 =	vadd.f32 v4, v3;
	_ =	sdelay $0x1  }
0xe0: {  	v4 =	vmul.f32 $2.000000030e-01, v3;
	_ =	sdelay $0x1  }
0xe1: {  	v3 =	vmax.f32 v3, v4  }
0xe2: {  	v3 =	vmul.f32 $1.442695020e+00, v3;
	_ =	sdelay $0x1  }
0xe3: {  	(erf) = vpow2.f32 v3;
	_ =	sdelay $0x8  }
0xe4: {  	v3 =	vpop (erf)  }
0xe5: {  	v3 =	vmul.f32 v3, v5;
	_ =	sdelay $0x1  }
0xe6: {  	[tilespmem:s30+$0x10] =	vst v3  }
0xe7: {  	v3 =	vld [tilespmem:s8+$0x5E0]  }
0xe8: {  	v4 =	vld [tilespmem:s29+$0x20]  }
0xe9: {  	v5 =	vld [tilespmem:s8+$0x1E0];
	_ =	sdelay $0x3  }
0xea: {  	v3 =	vadd.f32 v4, v3;
	_ =	sdelay $0x1  }
0xeb: {  	v4 =	vmul.f32 $2.000000030e-01, v3;
	_ =	sdelay $0x1  }
0xec: {  	v3 =	vmax.f32 v3, v4  }
0xed: {  	v3 =	vmul.f32 $1.442695020e+00, v3;
	_ =	sdelay $0x1  }
0xee: {  	(erf) = vpow2.f32 v3;
	_ =	sdelay $0x8  }
0xef: {  	v3 =	vpop (erf)  }
0xf0: {  	v3 =	vmul.f32 v3, v5;
	_ =	sdelay $0x1  }
0xf1: {  	[tilespmem:s30+$0x20] =	vst v3  }
0xf2: {  	v4 =	vld [tilespmem:s8+$0x5F0]  }
0xf3: {  	v5 =	vld [tilespmem:s29+$0x30]  }
0xf4: {  	v3 =	vld [tilespmem:s8+$0x1F0];
	_ =	sdelay $0x3  }
0xf5: {  	v4 =	vadd.f32 v5, v4;
	_ =	sdelay $0x1  }
0xf6: {  	v5 =	vmul.f32 $2.000000030e-01, v4  }
.Ltmp0:
0xf7: {  	(pc) =	sbr.rel @p1 .LBB2_3-.Ltmp0, $3  }
0xf8: {  	v4 =	vmax.f32 v4, v5  }
0xf9: {  	v4 =	vmul.f32 $1.442695020e+00, v4;
	_ =	sdelay $0x1  }
0xfa: {  	(erf) = vpow2.f32 v4  }
0xfb: {  	_ =	sdelay $0x7  }
0xfc: {  	v4 =	vpop (erf)  }
0xfd: {  	s26 =	sadd.s32 $0x1, s26;
	v3 =	vmul.f32 v4, v3  }
0xfe: {  	p1 =	sne.s32 s26, $0x1F4  }
.Ltmp1:
0xff: {  	[tilespmem:s0+$0x30] =	vst v3;
	(pc) =	sbr.rel @p1 .LBB2_2-.Ltmp1, $4  }
0x100: {  	[spmem:s1] =	stream.indirect.scatter.add.f32 [tilespmem:s25], [sflag:$0x2], $0x80, s16, s23, $0xb8;
	[tilespmem:$0x18A00] =	vst v63  }
0x101: {  	_ =	swait.ge [sflag:s14], $0x1400  }
0x102: {  	[sflag:s14] =	ssyncset.done $0x0  }
0x103: {  	[sflag:s14] =	ssyncadd.s32 $0xFFFFEC00  }
0x104: {  	[bflag:$0x0] =	sbarrier.arrive $0xFFFF;
	s2 =	sadd.s32 $0x1, s2  }
0x105: {  	s0 =	simm.s32 @!p0 $0x1C02;
	s8 =	rddreg [dreg:$0x4];
	p1 =	sne.s32 s2, s12  }
0x106: {  	[hbm:s8], [sflag:s0] =	dma.local @!p0 [spmem:s13], $0x27100  }
.Ltmp2:
0x107: {  	_ = 	snop;
	(pc) =	sbr.rel @p1 .LBB2_1-.Ltmp2, $4  }
0x108: {  	s0 =	simm.s32 @!p0 $0x2  }
0x109: {  	_ =	swait.ge @!p0 [sflag:s0], $0x27100  }
0x10a: {  	[sflag:s0] =	ssyncset.done @!p0 $0x0  }
0x10b: {  	[sflag:s0] =	ssyncadd.s32 @!p0 $0xFFFD8F00  }
0x10c: {  	_ =	sfence.sel $0x180000  }
0x10d: {  	[bflag:$0x0] =	sbarrier.arrive $0xFFFF  }
0x10e: {  	_ =	strace $0x90000047  }
0x10f: {  	[bflag:$0x2] =	sbarrier.arrive $0xFFFF  }
0x110: {  	s0 =	rddreg [dreg:$0x2]  }
0x111: {  	s0 =	sadd.s32 @!p0 $0x100000, s0  }
0x112: {  	[sflag:s0] =	ssyncadd.tile.s32 @!p0 $0x1;
	_ =	shalt  }
.Lfunc_end2:
_tile_overlayer_lowered:
.L_overlay_start_2:
0x113: {  	(tag) =	ssettag $0x2  }
0x114: {  	s0 =	rddreg [dreg:$0x0];
	s2 =	stileid.u32  }
0x115: {  	s1 =	rddreg [dreg:$0x1];
	p0 =	sne.s32 s2, $0x0  }
0x116: {  	s3 =	rddreg [dreg:$0x2];
	[bflag:$0x3] =	sbarrier.arrive $0xFFFF;
	s2 =	simm.s32 @!p0 $0x1C02  }
0x117: {  	[timem:s3], [sflag:s2] =	dma.local @!p0 [hbm:s0], s1  }
0x118: {  	s0 =	simm.s32 @!p0 $0x2  }
0x119: {  	_ =	swait.ge @!p0 [sflag:s0], s1  }
0x11a: {  	s1 =	ssub.s32 @!p0 $0x0, s1;
	[sflag:s0] =	ssyncset.done @!p0 $0x0  }
0x11b: {  	[sflag:s0] =	ssyncadd.s32 @!p0 s1  }
0x11c: {  	[bflag:$0x3] =	sbarrier.arrive $0xFFFF  }
0x11d: {  	_ =	shalt  }

</sc_bundles>
